<compile_context>
chip_gen: v7x
topology: tpu7x:2x2x1
jax: 0.10.2.dev20260603
libtpu: 0.0.44.dev20260713+nightly
codegen_flags: <defaults>
</compile_context>

<pallas_src>
import functools

import jax
import jax.numpy as jnp
from jax import lax
from jax.experimental import pallas as pl
from jax.experimental.pallas import tpu as pltpu
from jax.experimental.pallas import tpu_sc as plsc

_NC = 2
_NS = 16
_NW = _NC * _NS
_L = 16
_BL = 128


@functools.lru_cache(maxsize=None)
def _build(n_panels: int, stride: int, n_vocab: int, n_dim: int):
    assert n_panels % _NW == 0
    per_w = n_panels // _NW
    nbuf = 2
    pb = 100
    while per_w % pb:
        pb -= 1
    n_blk = per_w // pb
    tab_words = n_vocab * n_dim
    assert n_dim & (n_dim - 1) == 0
    dim_sh = n_dim.bit_length() - 1
    groups = _BL // _L

    mesh = plsc.VectorSubcoreMesh(core_axis_name="c", subcore_axis_name="s")

    @functools.partial(
        pl.kernel,
        out_type=jax.ShapeDtypeStruct((n_panels, n_dim, _BL), jnp.float32),
        mesh=mesh,
        compiler_params=pltpu.CompilerParams(needs_layout_passes=False),
        scratch_types=(
            [pltpu.VMEM((tab_words,), jnp.float32)]
            + [pltpu.VMEM((pb, 1, _BL), jnp.int32)] * nbuf
            + [pltpu.VMEM((pb, n_dim, _BL), jnp.float32)] * nbuf
            + [pltpu.SemaphoreType.DMA] * (2 * nbuf + 1)
        ),
    )
    def emb(in_hbm, tab_hbm, out_hbm, tab_v, *bufs_and_sems):
        in_bufs = bufs_and_sems[:nbuf]
        out_bufs = bufs_and_sems[nbuf:2 * nbuf]
        sem_t = bufs_and_sems[2 * nbuf]
        in_sems = bufs_and_sems[2 * nbuf + 1:3 * nbuf + 1]
        out_sems = bufs_and_sems[3 * nbuf + 1:]
        wid = lax.axis_index("s") * _NC + lax.axis_index("c")
        p0 = wid * per_w

        pltpu.async_copy(tab_hbm, tab_v, sem_t).wait()

        def start_in(g):
            return pltpu.async_copy(
                in_hbm.at[pl.ds(p0 + g * pb, pb), pl.ds(0, 1)],
                in_bufs[g % nbuf], in_sems[g % nbuf])

        def start_out(g):
            return pltpu.async_copy(
                out_bufs[g % nbuf],
                out_hbm.at[pl.ds(p0 + g * pb, pb)],
                out_sems[g % nbuf])

        g_sh = groups.bit_length() - 1
        l_sh = _L.bit_length() - 1

        def compute(g):
            src = in_bufs[g % nbuf]
            dst = out_bufs[g % nbuf]

            @plsc.parallel_loop(0, pb * groups, unroll=4)
            def _loop(i):
                p = lax.shift_right_logical(i, g_sh)
                j16 = lax.shift_left(lax.bitwise_and(i, groups - 1), l_sh)
                idx = src[p, 0, pl.ds(j16, _L)]
                a = lax.shift_left(idx, dim_sh)
                for c in range(n_dim):
                    dst[p, c, pl.ds(j16, _L)] = (
                        plsc.load_gather(tab_v, [a + c]))

        in_copies = [None] * n_blk
        out_copies = [None] * n_blk
        for g in range(min(nbuf - 1, n_blk)):
            in_copies[g] = start_in(g)
        for g in range(n_blk):
            if g + nbuf - 1 < n_blk:
                in_copies[g + nbuf - 1] = start_in(g + nbuf - 1)
            in_copies[g].wait()
            if g >= nbuf:
                out_copies[g - nbuf].wait()
            compute(g)
            out_copies[g] = start_out(g)
        for g in range(max(0, n_blk - nbuf), n_blk):
            out_copies[g].wait()

    return emb


def kernel(inputs, day_table):
    b, t, c = inputs.shape
    n_vocab, n_dim = day_table.shape
    assert b % _BL == 0
    nbt = b // _BL
    n_panels = t * nbt
    x = (inputs.astype(jnp.int32)
         .reshape(nbt, _BL, t, c)
         .transpose(2, 0, 3, 1)
         .reshape(n_panels, c, _BL))
    flat_tab = day_table.reshape(-1).astype(jnp.float32)
    o = _build(n_panels, c, n_vocab, n_dim)(x, flat_tab)
    return (o.reshape(t, nbt, n_dim, _BL)
            .transpose(1, 3, 0, 2)
            .reshape(b, t, n_dim))

# --- scband reference (transcript-rebuilt; emitter-appended) ---
"""Pipeline reference for scband-embedder-43061342110465 (READ-ONLY COPY).

The authoritative reference and input builder live on the scoring server;
editing this copy changes nothing except your own understanding.
"""

import jax, jax.numpy as jnp
import numpy as np


def setup_inputs(seed: int = 0) -> dict:
    key = jax.random.key(seed)
    k1, k2 = jax.random.split(key)
    inputs = jax.random.randint(k1, (16384, 200, 8), 0, 7, dtype=jnp.int64)
    day_table = jax.random.normal(k2, (7, 4), dtype=jnp.float32)
    return {"inputs": inputs, "day_table": day_table}


def reference(inputs, day_table):
    current_day = inputs[:, :, 0]
    day_emb = jnp.take(day_table, current_day, axis=0)
    return day_emb

if __name__ == "__main__":
    import jax
    _d = setup_inputs()
    print(jax.jit(kernel)(*tuple(_d.values())))

</pallas_src>

<mosaic_0001>
#map = affine_map<(d0, d1) -> (0, 0, 0)>
#map1 = affine_map<(d0, d1) -> (0)>
module attributes {stable_mosaic.version = 14 : i64} {
  func.func @emb(%arg0: i32, %arg1: i32, %arg2: memref<25600x8x128xi32, #tpu.memory_space<hbm>>, %arg3: memref<28xf32, #tpu.memory_space<hbm>>, %arg4: memref<25600x4x128xf32, #tpu.memory_space<hbm>>, %arg5: memref<28xf32, #tpu.memory_space<vmem>>, %arg6: memref<100x1x128xi32, #tpu.memory_space<vmem>>, %arg7: memref<100x1x128xi32, #tpu.memory_space<vmem>>, %arg8: memref<100x4x128xf32, #tpu.memory_space<vmem>>, %arg9: memref<100x4x128xf32, #tpu.memory_space<vmem>>, %arg10: memref<!tpu.dma_semaphore, #tpu.memory_space<semaphore_mem>>, %arg11: memref<!tpu.dma_semaphore, #tpu.memory_space<semaphore_mem>>, %arg12: memref<!tpu.dma_semaphore, #tpu.memory_space<semaphore_mem>>, %arg13: memref<!tpu.dma_semaphore, #tpu.memory_space<semaphore_mem>>, %arg14: memref<!tpu.dma_semaphore, #tpu.memory_space<semaphore_mem>>) attributes {dimension_semantics = [#tpu.dimension_semantics<core_parallel>, #tpu.dimension_semantics<subcore_parallel>], iteration_bounds = array<i64: 2, 16>, scalar_prefetch = 0 : i64, scratch_operands = 10 : i64, tpu.core_type = #tpu.core_type<sc_vector_subcore>, window_params = [{transform_indices = #map}, {transform_indices = #map1}, {transform_indices = #map}]} {
    %mul3A = arith.constant 2 : i32
    %mul3A_0 = arith.muli %arg1, %mul3A : i32
    %add3A = arith.addi %mul3A_0, %arg0 : i32
    %mul3A_1 = arith.constant 800 : i32
    %mul3A_2 = arith.muli %add3A, %mul3A_1 : i32
    tpu.enqueue_dma source(%arg3 : memref<28xf32, #tpu.memory_space<hbm>>) target(%arg5 : memref<28xf32, #tpu.memory_space<vmem>>) target_semaphore(%arg10 : memref<!tpu.dma_semaphore, #tpu.memory_space<semaphore_mem>>)
    tpu.wait_dma2 semaphore(%arg10 : memref<!tpu.dma_semaphore, #tpu.memory_space<semaphore_mem>>) src(%arg3 : memref<28xf32, #tpu.memory_space<hbm>>) dst(%arg5 : memref<28xf32, #tpu.memory_space<vmem>>)
    %add3A_3 = arith.constant 0 : i32
    %add3A_4 = arith.addi %mul3A_2, %add3A_3 : i32
    %dma_start3A = arith.constant 0 : i32
    %dma_start3A_5 = arith.constant 0 : i32
    %dma_start3A_6 = tpu.memref_slice %arg2[%add3A_4, %dma_start3A, %dma_start3A_5] : memref<25600x8x128xi32, #tpu.memory_space<hbm>> -> memref<100x1x128xi32, #tpu.memory_space<hbm>>
    %dma_start3A_7 = arith.constant 0 : i32
    %dma_start3A_8 = arith.constant 0 : i32
    %dma_start3A_9 = tpu.memref_slice %arg2[%add3A_4, %dma_start3A_7, %dma_start3A_8] : memref<25600x8x128xi32, #tpu.memory_space<hbm>> -> memref<100x1x128xi32, #tpu.memory_space<hbm>>
    tpu.enqueue_dma source(%dma_start3A_9 : memref<100x1x128xi32, #tpu.memory_space<hbm>>) target(%arg6 : memref<100x1x128xi32, #tpu.memory_space<vmem>>) target_semaphore(%arg11 : memref<!tpu.dma_semaphore, #tpu.memory_space<semaphore_mem>>)
    %add3A_10 = arith.constant 100 : i32
    %add3A_11 = arith.addi %mul3A_2, %add3A_10 : i32
    %dma_start3A_12 = arith.constant 0 : i32
    %dma_start3A_13 = arith.constant 0 : i32
    %dma_start3A_14 = tpu.memref_slice %arg2[%add3A_11, %dma_start3A_12, %dma_start3A_13] : memref<25600x8x128xi32, #tpu.memory_space<hbm>> -> memref<100x1x128xi32, #tpu.memory_space<hbm>>
    %dma_start3A_15 = arith.constant 0 : i32
    %dma_start3A_16 = arith.constant 0 : i32
    %dma_start3A_17 = tpu.memref_slice %arg2[%add3A_11, %dma_start3A_15, %dma_start3A_16] : memref<25600x8x128xi32, #tpu.memory_space<hbm>> -> memref<100x1x128xi32, #tpu.memory_space<hbm>>
    tpu.enqueue_dma source(%dma_start3A_17 : memref<100x1x128xi32, #tpu.memory_space<hbm>>) target(%arg7 : memref<100x1x128xi32, #tpu.memory_space<vmem>>) target_semaphore(%arg12 : memref<!tpu.dma_semaphore, #tpu.memory_space<semaphore_mem>>)
    %dma_wait3A = arith.constant 0 : i32
    %dma_wait3A_18 = arith.constant 0 : i32
    %dma_wait3A_19 = tpu.memref_slice %arg2[%add3A_4, %dma_wait3A, %dma_wait3A_18] : memref<25600x8x128xi32, #tpu.memory_space<hbm>> -> memref<100x1x128xi32, #tpu.memory_space<hbm>>
    %dma_wait3A_20 = arith.constant 0 : i32
    %dma_wait3A_21 = arith.constant 0 : i32
    %dma_wait3A_22 = tpu.memref_slice %arg2[%add3A_4, %dma_wait3A_20, %dma_wait3A_21] : memref<25600x8x128xi32, #tpu.memory_space<hbm>> -> memref<100x1x128xi32, #tpu.memory_space<hbm>>
    tpu.wait_dma2 semaphore(%arg11 : memref<!tpu.dma_semaphore, #tpu.memory_space<semaphore_mem>>) src(%dma_wait3A_22 : memref<100x1x128xi32, #tpu.memory_space<hbm>>) dst(%arg6 : memref<100x1x128xi32, #tpu.memory_space<vmem>>)
    %parallel_loop3A = arith.constant 0 : i32
    %parallel_loop3A_23 = arith.constant 800 : i32
    %parallel_loop3A_24 = arith.constant 1 : i32
    scf.for %parallel_loop3A_248 = %parallel_loop3A to %parallel_loop3A_23 step %parallel_loop3A_24  : i32 {
      %parallel_loop3A_249 = arith.constant 3 : i32
      %parallel_loop3A_250 = arith.shrui %parallel_loop3A_248, %parallel_loop3A_249 : i32
      %parallel_loop3A_251 = arith.constant 7 : i32
      %parallel_loop3A_252 = arith.andi %parallel_loop3A_248, %parallel_loop3A_251 : i32
      %parallel_loop3A_253 = arith.constant 4 : i32
      %parallel_loop3A_254 = arith.shli %parallel_loop3A_252, %parallel_loop3A_253 : i32
      %parallel_loop3A_255 = arith.constant 0 : i32
      %parallel_loop3A_256 = arith.index_cast %parallel_loop3A_250 : i32 to index
      %parallel_loop3A_257 = arith.index_cast %parallel_loop3A_255 : i32 to index
      %parallel_loop3A_258 = arith.index_cast %parallel_loop3A_254 : i32 to index
      %parallel_loop3A_259 = tpu.vector_load %arg6[%parallel_loop3A_256, %parallel_loop3A_257, %parallel_loop3A_258] {strides = array<i32>} : memref<100x1x128xi32, #tpu.memory_space<vmem>>, vector<16xi32>,
      %parallel_loop3A_260 = arith.constant 2 : i32
      %parallel_loop3A_261 = vector.broadcast %parallel_loop3A_260 : i32 to vector<16xi32>
      %parallel_loop3A_262 = arith.shli %parallel_loop3A_259, %parallel_loop3A_261 : vector<16xi32>
      %parallel_loop3A_263 = arith.constant 0 : i32
      %parallel_loop3A_264 = vector.broadcast %parallel_loop3A_263 : i32 to vector<16xi32>
      %parallel_loop3A_265 = arith.addi %parallel_loop3A_262, %parallel_loop3A_264 : vector<16xi32>
      %parallel_loop3A_266 = tpu.vector_load_idx %arg5[%parallel_loop3A_265] : memref<28xf32, #tpu.memory_space<vmem>>[vector<16xi32>], vector<16xf32>,
      %parallel_loop3A_267 = arith.constant 0 : i32
      %parallel_loop3A_268 = arith.index_cast %parallel_loop3A_250 : i32 to index
      %parallel_loop3A_269 = arith.index_cast %parallel_loop3A_267 : i32 to index
      %parallel_loop3A_270 = arith.index_cast %parallel_loop3A_254 : i32 to index
      %parallel_loop3A_271 = tpu.vector_load %arg8[%parallel_loop3A_268, %parallel_loop3A_269, %parallel_loop3A_270] {strides = array<i32>} : memref<100x4x128xf32, #tpu.memory_space<vmem>>, vector<16xf32>,
      tpu.vector_store %arg8[%parallel_loop3A_268, %parallel_loop3A_269, %parallel_loop3A_270], %parallel_loop3A_266 {strides = array<i32>} : memref<100x4x128xf32, #tpu.memory_space<vmem>>, vector<16xf32>,
      %parallel_loop3A_272 = arith.constant 1 : i32
      %parallel_loop3A_273 = vector.broadcast %parallel_loop3A_272 : i32 to vector<16xi32>
      %parallel_loop3A_274 = arith.addi %parallel_loop3A_262, %parallel_loop3A_273 : vector<16xi32>
      %parallel_loop3A_275 = tpu.vector_load_idx %arg5[%parallel_loop3A_274] : memref<28xf32, #tpu.memory_space<vmem>>[vector<16xi32>], vector<16xf32>,
      %parallel_loop3A_276 = arith.constant 1 : i32
      %parallel_loop3A_277 = arith.index_cast %parallel_loop3A_250 : i32 to index
      %parallel_loop3A_278 = arith.index_cast %parallel_loop3A_276 : i32 to index
      %parallel_loop3A_279 = arith.index_cast %parallel_loop3A_254 : i32 to index
      %parallel_loop3A_280 = tpu.vector_load %arg8[%parallel_loop3A_277, %parallel_loop3A_278, %parallel_loop3A_279] {strides = array<i32>} : memref<100x4x128xf32, #tpu.memory_space<vmem>>, vector<16xf32>,
      tpu.vector_store %arg8[%parallel_loop3A_277, %parallel_loop3A_278, %parallel_loop3A_279], %parallel_loop3A_275 {strides = array<i32>} : memref<100x4x128xf32, #tpu.memory_space<vmem>>, vector<16xf32>,
      %parallel_loop3A_281 = arith.constant 2 : i32
      %parallel_loop3A_282 = vector.broadcast %parallel_loop3A_281 : i32 to vector<16xi32>
      %parallel_loop3A_283 = arith.addi %parallel_loop3A_262, %parallel_loop3A_282 : vector<16xi32>
      %parallel_loop3A_284 = tpu.vector_load_idx %arg5[%parallel_loop3A_283] : memref<28xf32, #tpu.memory_space<vmem>>[vector<16xi32>], vector<16xf32>,
      %parallel_loop3A_285 = arith.constant 2 : i32
      %parallel_loop3A_286 = arith.index_cast %parallel_loop3A_250 : i32 to index
      %parallel_loop3A_287 = arith.index_cast %parallel_loop3A_285 : i32 to index
      %parallel_loop3A_288 = arith.index_cast %parallel_loop3A_254 : i32 to index
      %parallel_loop3A_289 = tpu.vector_load %arg8[%parallel_loop3A_286, %parallel_loop3A_287, %parallel_loop3A_288] {strides = array<i32>} : memref<100x4x128xf32, #tpu.memory_space<vmem>>, vector<16xf32>,
      tpu.vector_store %arg8[%parallel_loop3A_286, %parallel_loop3A_287, %parallel_loop3A_288], %parallel_loop3A_284 {strides = array<i32>} : memref<100x4x128xf32, #tpu.memory_space<vmem>>, vector<16xf32>,
      %parallel_loop3A_290 = arith.constant 3 : i32
      %parallel_loop3A_291 = vector.broadcast %parallel_loop3A_290 : i32 to vector<16xi32>
      %parallel_loop3A_292 = arith.addi %parallel_loop3A_262, %parallel_loop3A_291 : vector<16xi32>
      %parallel_loop3A_293 = tpu.vector_load_idx %arg5[%parallel_loop3A_292] : memref<28xf32, #tpu.memory_space<vmem>>[vector<16xi32>], vector<16xf32>,
      %parallel_loop3A_294 = arith.constant 3 : i32
      %parallel_loop3A_295 = arith.index_cast %parallel_loop3A_250 : i32 to index
      %parallel_loop3A_296 = arith.index_cast %parallel_loop3A_294 : i32 to index
      %parallel_loop3A_297 = arith.index_cast %parallel_loop3A_254 : i32 to index
      %parallel_loop3A_298 = tpu.vector_load %arg8[%parallel_loop3A_295, %parallel_loop3A_296, %parallel_loop3A_297] {strides = array<i32>} : memref<100x4x128xf32, #tpu.memory_space<vmem>>, vector<16xf32>,
      tpu.vector_store %arg8[%parallel_loop3A_295, %parallel_loop3A_296, %parallel_loop3A_297], %parallel_loop3A_293 {strides = array<i32>} : memref<100x4x128xf32, #tpu.memory_space<vmem>>, vector<16xf32>,
    } {sc.loop_unroll_factor = 4 : i64, sc.parallel_access}
    %add3A_25 = arith.constant 0 : i32
    %add3A_26 = arith.addi %mul3A_2, %add3A_25 : i32
    %dma_start3A_27 = arith.constant 0 : i32
    %dma_start3A_28 = arith.constant 0 : i32
    %dma_start3A_29 = tpu.memref_slice %arg4[%add3A_26, %dma_start3A_27, %dma_start3A_28] : memref<25600x4x128xf32, #tpu.memory_space<hbm>> -> memref<100x4x128xf32, #tpu.memory_space<hbm>>
    %dma_start3A_30 = arith.constant 0 : i32
    %dma_start3A_31 = arith.constant 0 : i32
    %dma_start3A_32 = tpu.memref_slice %arg4[%add3A_26, %dma_start3A_30, %dma_start3A_31] : memref<25600x4x128xf32, #tpu.memory_space<hbm>> -> memref<100x4x128xf32, #tpu.memory_space<hbm>>
    tpu.enqueue_dma source(%arg8 : memref<100x4x128xf32, #tpu.memory_space<vmem>>) target(%dma_start3A_32 : memref<100x4x128xf32, #tpu.memory_space<hbm>>) target_semaphore(%arg13 : memref<!tpu.dma_semaphore, #tpu.memory_space<semaphore_mem>>)
    %add3A_33 = arith.constant 200 : i32
    %add3A_34 = arith.addi %mul3A_2, %add3A_33 : i32
    %dma_start3A_35 = arith.constant 0 : i32
    %dma_start3A_36 = arith.constant 0 : i32
    %dma_start3A_37 = tpu.memref_slice %arg2[%add3A_34, %dma_start3A_35, %dma_start3A_36] : memref<25600x8x128xi32, #tpu.memory_space<hbm>> -> memref<100x1x128xi32, #tpu.memory_space<hbm>>
    %dma_start3A_38 = arith.constant 0 : i32
    %dma_start3A_39 = arith.constant 0 : i32
    %dma_start3A_40 = tpu.memref_slice %arg2[%add3A_34, %dma_start3A_38, %dma_start3A_39] : memref<25600x8x128xi32, #tpu.memory_space<hbm>> -> memref<100x1x128xi32, #tpu.memory_space<hbm>>
    tpu.enqueue_dma source(%dma_start3A_40 : memref<100x1x128xi32, #tpu.memory_space<hbm>>) target(%arg6 : memref<100x1x128xi32, #tpu.memory_space<vmem>>) target_semaphore(%arg11 : memref<!tpu.dma_semaphore, #tpu.memory_space<semaphore_mem>>)
    %dma_wait3A_41 = arith.constant 0 : i32
    %dma_wait3A_42 = arith.constant 0 : i32
    %dma_wait3A_43 = tpu.memref_slice %arg2[%add3A_11, %dma_wait3A_41, %dma_wait3A_42] : memref<25600x8x128xi32, #tpu.memory_space<hbm>> -> memref<100x1x128xi32, #tpu.memory_space<hbm>>
    %dma_wait3A_44 = arith.constant 0 : i32
    %dma_wait3A_45 = arith.constant 0 : i32
    %dma_wait3A_46 = tpu.memref_slice %arg2[%add3A_11, %dma_wait3A_44, %dma_wait3A_45] : memref<25600x8x128xi32, #tpu.memory_space<hbm>> -> memref<100x1x128xi32, #tpu.memory_space<hbm>>
    tpu.wait_dma2 semaphore(%arg12 : memref<!tpu.dma_semaphore, #tpu.memory_space<semaphore_mem>>) src(%dma_wait3A_46 : memref<100x1x128xi32, #tpu.memory_space<hbm>>) dst(%arg7 : memref<100x1x128xi32, #tpu.memory_space<vmem>>)
    %parallel_loop3A_47 = arith.constant 0 : i32
    %parallel_loop3A_48 = arith.constant 800 : i32
    %parallel_loop3A_49 = arith.constant 1 : i32
    scf.for %parallel_loop3A_248 = %parallel_loop3A_47 to %parallel_loop3A_48 step %parallel_loop3A_49  : i32 {
      %parallel_loop3A_249 = arith.constant 3 : i32
      %parallel_loop3A_250 = arith.shrui %parallel_loop3A_248, %parallel_loop3A_249 : i32
      %parallel_loop3A_251 = arith.constant 7 : i32
      %parallel_loop3A_252 = arith.andi %parallel_loop3A_248, %parallel_loop3A_251 : i32
      %parallel_loop3A_253 = arith.constant 4 : i32
      %parallel_loop3A_254 = arith.shli %parallel_loop3A_252, %parallel_loop3A_253 : i32
      %parallel_loop3A_255 = arith.constant 0 : i32
      %parallel_loop3A_256 = arith.index_cast %parallel_loop3A_250 : i32 to index
      %parallel_loop3A_257 = arith.index_cast %parallel_loop3A_255 : i32 to index
      %parallel_loop3A_258 = arith.index_cast %parallel_loop3A_254 : i32 to index
      %parallel_loop3A_259 = tpu.vector_load %arg7[%parallel_loop3A_256, %parallel_loop3A_257, %parallel_loop3A_258] {strides = array<i32>} : memref<100x1x128xi32, #tpu.memory_space<vmem>>, vector<16xi32>,
      %parallel_loop3A_260 = arith.constant 2 : i32
      %parallel_loop3A_261 = vector.broadcast %parallel_loop3A_260 : i32 to vector<16xi32>
      %parallel_loop3A_262 = arith.shli %parallel_loop3A_259, %parallel_loop3A_261 : vector<16xi32>
      %parallel_loop3A_263 = arith.constant 0 : i32
      %parallel_loop3A_264 = vector.broadcast %parallel_loop3A_263 : i32 to vector<16xi32>
      %parallel_loop3A_265 = arith.addi %parallel_loop3A_262, %parallel_loop3A_264 : vector<16xi32>
      %parallel_loop3A_266 = tpu.vector_load_idx %arg5[%parallel_loop3A_265] : memref<28xf32, #tpu.memory_space<vmem>>[vector<16xi32>], vector<16xf32>,
      %parallel_loop3A_267 = arith.constant 0 : i32
      %parallel_loop3A_268 = arith.index_cast %parallel_loop3A_250 : i32 to index
      %parallel_loop3A_269 = arith.index_cast %parallel_loop3A_267 : i32 to index
      %parallel_loop3A_270 = arith.index_cast %parallel_loop3A_254 : i32 to index
      %parallel_loop3A_271 = tpu.vector_load %arg9[%parallel_loop3A_268, %parallel_loop3A_269, %parallel_loop3A_270] {strides = array<i32>} : memref<100x4x128xf32, #tpu.memory_space<vmem>>, vector<16xf32>,
      tpu.vector_store %arg9[%parallel_loop3A_268, %parallel_loop3A_269, %parallel_loop3A_270], %parallel_loop3A_266 {strides = array<i32>} : memref<100x4x128xf32, #tpu.memory_space<vmem>>, vector<16xf32>,
      %parallel_loop3A_272 = arith.constant 1 : i32
      %parallel_loop3A_273 = vector.broadcast %parallel_loop3A_272 : i32 to vector<16xi32>
      %parallel_loop3A_274 = arith.addi %parallel_loop3A_262, %parallel_loop3A_273 : vector<16xi32>
      %parallel_loop3A_275 = tpu.vector_load_idx %arg5[%parallel_loop3A_274] : memref<28xf32, #tpu.memory_space<vmem>>[vector<16xi32>], vector<16xf32>,
      %parallel_loop3A_276 = arith.constant 1 : i32
      %parallel_loop3A_277 = arith.index_cast %parallel_loop3A_250 : i32 to index
      %parallel_loop3A_278 = arith.index_cast %parallel_loop3A_276 : i32 to index
      %parallel_loop3A_279 = arith.index_cast %parallel_loop3A_254 : i32 to index
      %parallel_loop3A_280 = tpu.vector_load %arg9[%parallel_loop3A_277, %parallel_loop3A_278, %parallel_loop3A_279] {strides = array<i32>} : memref<100x4x128xf32, #tpu.memory_space<vmem>>, vector<16xf32>,
      tpu.vector_store %arg9[%parallel_loop3A_277, %parallel_loop3A_278, %parallel_loop3A_279], %parallel_loop3A_275 {strides = array<i32>} : memref<100x4x128xf32, #tpu.memory_space<vmem>>, vector<16xf32>,
      %parallel_loop3A_281 = arith.constant 2 : i32
      %parallel_loop3A_282 = vector.broadcast %parallel_loop3A_281 : i32 to vector<16xi32>
      %parallel_loop3A_283 = arith.addi %parallel_loop3A_262, %parallel_loop3A_282 : vector<16xi32>
      %parallel_loop3A_284 = tpu.vector_load_idx %arg5[%parallel_loop3A_283] : memref<28xf32, #tpu.memory_space<vmem>>[vector<16xi32>], vector<16xf32>,
      %parallel_loop3A_285 = arith.constant 2 : i32
      %parallel_loop3A_286 = arith.index_cast %parallel_loop3A_250 : i32 to index
      %parallel_loop3A_287 = arith.index_cast %parallel_loop3A_285 : i32 to index
      %parallel_loop3A_288 = arith.index_cast %parallel_loop3A_254 : i32 to index
      %parallel_loop3A_289 = tpu.vector_load %arg9[%parallel_loop3A_286, %parallel_loop3A_287, %parallel_loop3A_288] {strides = array<i32>} : memref<100x4x128xf32, #tpu.memory_space<vmem>>, vector<16xf32>,
      tpu.vector_store %arg9[%parallel_loop3A_286, %parallel_loop3A_287, %parallel_loop3A_288], %parallel_loop3A_284 {strides = array<i32>} : memref<100x4x128xf32, #tpu.memory_space<vmem>>, vector<16xf32>,
      %parallel_loop3A_290 = arith.constant 3 : i32
      %parallel_loop3A_291 = vector.broadcast %parallel_loop3A_290 : i32 to vector<16xi32>
      %parallel_loop3A_292 = arith.addi %parallel_loop3A_262, %parallel_loop3A_291 : vector<16xi32>
      %parallel_loop3A_293 = tpu.vector_load_idx %arg5[%parallel_loop3A_292] : memref<28xf32, #tpu.memory_space<vmem>>[vector<16xi32>], vector<16xf32>,
      %parallel_loop3A_294 = arith.constant 3 : i32
      %parallel_loop3A_295 = arith.index_cast %parallel_loop3A_250 : i32 to index
      %parallel_loop3A_296 = arith.index_cast %parallel_loop3A_294 : i32 to index
      %parallel_loop3A_297 = arith.index_cast %parallel_loop3A_254 : i32 to index
      %parallel_loop3A_298 = tpu.vector_load %arg9[%parallel_loop3A_295, %parallel_loop3A_296, %parallel_loop3A_297] {strides = array<i32>} : memref<100x4x128xf32, #tpu.memory_space<vmem>>, vector<16xf32>,
      tpu.vector_store %arg9[%parallel_loop3A_295, %parallel_loop3A_296, %parallel_loop3A_297], %parallel_loop3A_293 {strides = array<i32>} : memref<100x4x128xf32, #tpu.memory_space<vmem>>, vector<16xf32>,
    } {sc.loop_unroll_factor = 4 : i64, sc.parallel_access}
    %add3A_50 = arith.constant 100 : i32
    %add3A_51 = arith.addi %mul3A_2, %add3A_50 : i32
    %dma_start3A_52 = arith.constant 0 : i32
    %dma_start3A_53 = arith.constant 0 : i32
    %dma_start3A_54 = tpu.memref_slice %arg4[%add3A_51, %dma_start3A_52, %dma_start3A_53] : memref<25600x4x128xf32, #tpu.memory_space<hbm>> -> memref<100x4x128xf32, #tpu.memory_space<hbm>>
    %dma_start3A_55 = arith.constant 0 : i32
    %dma_start3A_56 = arith.constant 0 : i32
    %dma_start3A_57 = tpu.memref_slice %arg4[%add3A_51, %dma_start3A_55, %dma_start3A_56] : memref<25600x4x128xf32, #tpu.memory_space<hbm>> -> memref<100x4x128xf32, #tpu.memory_space<hbm>>
    tpu.enqueue_dma source(%arg9 : memref<100x4x128xf32, #tpu.memory_space<vmem>>) target(%dma_start3A_57 : memref<100x4x128xf32, #tpu.memory_space<hbm>>) target_semaphore(%arg14 : memref<!tpu.dma_semaphore, #tpu.memory_space<semaphore_mem>>)
    %add3A_58 = arith.constant 300 : i32
    %add3A_59 = arith.addi %mul3A_2, %add3A_58 : i32
    %dma_start3A_60 = arith.constant 0 : i32
    %dma_start3A_61 = arith.constant 0 : i32
    %dma_start3A_62 = tpu.memref_slice %arg2[%add3A_59, %dma_start3A_60, %dma_start3A_61] : memref<25600x8x128xi32, #tpu.memory_space<hbm>> -> memref<100x1x128xi32, #tpu.memory_space<hbm>>
    %dma_start3A_63 = arith.constant 0 : i32
    %dma_start3A_64 = arith.constant 0 : i32
    %dma_start3A_65 = tpu.memref_slice %arg2[%add3A_59, %dma_start3A_63, %dma_start3A_64] : memref<25600x8x128xi32, #tpu.memory_space<hbm>> -> memref<100x1x128xi32, #tpu.memory_space<hbm>>
    tpu.enqueue_dma source(%dma_start3A_65 : memref<100x1x128xi32, #tpu.memory_space<hbm>>) target(%arg7 : memref<100x1x128xi32, #tpu.memory_space<vmem>>) target_semaphore(%arg12 : memref<!tpu.dma_semaphore, #tpu.memory_space<semaphore_mem>>)
    %dma_wait3A_66 = arith.constant 0 : i32
    %dma_wait3A_67 = arith.constant 0 : i32
    %dma_wait3A_68 = tpu.memref_slice %arg2[%add3A_34, %dma_wait3A_66, %dma_wait3A_67] : memref<25600x8x128xi32, #tpu.memory_space<hbm>> -> memref<100x1x128xi32, #tpu.memory_space<hbm>>
    %dma_wait3A_69 = arith.constant 0 : i32
    %dma_wait3A_70 = arith.constant 0 : i32
    %dma_wait3A_71 = tpu.memref_slice %arg2[%add3A_34, %dma_wait3A_69, %dma_wait3A_70] : memref<25600x8x128xi32, #tpu.memory_space<hbm>> -> memref<100x1x128xi32, #tpu.memory_space<hbm>>
    tpu.wait_dma2 semaphore(%arg11 : memref<!tpu.dma_semaphore, #tpu.memory_space<semaphore_mem>>) src(%dma_wait3A_71 : memref<100x1x128xi32, #tpu.memory_space<hbm>>) dst(%arg6 : memref<100x1x128xi32, #tpu.memory_space<vmem>>)
    %dma_wait3A_72 = arith.constant 0 : i32
    %dma_wait3A_73 = arith.constant 0 : i32
    %dma_wait3A_74 = tpu.memref_slice %arg4[%add3A_26, %dma_wait3A_72, %dma_wait3A_73] : memref<25600x4x128xf32, #tpu.memory_space<hbm>> -> memref<100x4x128xf32, #tpu.memory_space<hbm>>
    %dma_wait3A_75 = arith.constant 0 : i32
    %dma_wait3A_76 = arith.constant 0 : i32
    %dma_wait3A_77 = tpu.memref_slice %arg4[%add3A_26, %dma_wait3A_75, %dma_wait3A_76] : memref<25600x4x128xf32, #tpu.memory_space<hbm>> -> memref<100x4x128xf32, #tpu.memory_space<hbm>>
    tpu.wait_dma2 semaphore(%arg13 : memref<!tpu.dma_semaphore, #tpu.memory_space<semaphore_mem>>) src(%arg8 : memref<100x4x128xf32, #tpu.memory_space<vmem>>) dst(%dma_wait3A_77 : memref<100x4x128xf32, #tpu.memory_space<hbm>>)
    %parallel_loop3A_78 = arith.constant 0 : i32
    %parallel_loop3A_79 = arith.constant 800 : i32
    %parallel_loop3A_80 = arith.constant 1 : i32
    scf.for %parallel_loop3A_248 = %parallel_loop3A_78 to %parallel_loop3A_79 step %parallel_loop3A_80  : i32 {
      %parallel_loop3A_249 = arith.constant 3 : i32
      %parallel_loop3A_250 = arith.shrui %parallel_loop3A_248, %parallel_loop3A_249 : i32
      %parallel_loop3A_251 = arith.constant 7 : i32
      %parallel_loop3A_252 = arith.andi %parallel_loop3A_248, %parallel_loop3A_251 : i32
      %parallel_loop3A_253 = arith.constant 4 : i32
      %parallel_loop3A_254 = arith.shli %parallel_loop3A_252, %parallel_loop3A_253 : i32
      %parallel_loop3A_255 = arith.constant 0 : i32
      %parallel_loop3A_256 = arith.index_cast %parallel_loop3A_250 : i32 to index
      %parallel_loop3A_257 = arith.index_cast %parallel_loop3A_255 : i32 to index
      %parallel_loop3A_258 = arith.index_cast %parallel_loop3A_254 : i32 to index
      %parallel_loop3A_259 = tpu.vector_load %arg6[%parallel_loop3A_256, %parallel_loop3A_257, %parallel_loop3A_258] {strides = array<i32>} : memref<100x1x128xi32, #tpu.memory_space<vmem>>, vector<16xi32>,
      %parallel_loop3A_260 = arith.constant 2 : i32
      %parallel_loop3A_261 = vector.broadcast %parallel_loop3A_260 : i32 to vector<16xi32>
      %parallel_loop3A_262 = arith.shli %parallel_loop3A_259, %parallel_loop3A_261 : vector<16xi32>
      %parallel_loop3A_263 = arith.constant 0 : i32
      %parallel_loop3A_264 = vector.broadcast %parallel_loop3A_263 : i32 to vector<16xi32>
      %parallel_loop3A_265 = arith.addi %parallel_loop3A_262, %parallel_loop3A_264 : vector<16xi32>
      %parallel_loop3A_266 = tpu.vector_load_idx %arg5[%parallel_loop3A_265] : memref<28xf32, #tpu.memory_space<vmem>>[vector<16xi32>], vector<16xf32>,
      %parallel_loop3A_267 = arith.constant 0 : i32
      %parallel_loop3A_268 = arith.index_cast %parallel_loop3A_250 : i32 to index
      %parallel_loop3A_269 = arith.index_cast %parallel_loop3A_267 : i32 to index
      %parallel_loop3A_270 = arith.index_cast %parallel_loop3A_254 : i32 to index
      %parallel_loop3A_271 = tpu.vector_load %arg8[%parallel_loop3A_268, %parallel_loop3A_269, %parallel_loop3A_270] {strides = array<i32>} : memref<100x4x128xf32, #tpu.memory_space<vmem>>, vector<16xf32>,
      tpu.vector_store %arg8[%parallel_loop3A_268, %parallel_loop3A_269, %parallel_loop3A_270], %parallel_loop3A_266 {strides = array<i32>} : memref<100x4x128xf32, #tpu.memory_space<vmem>>, vector<16xf32>,
      %parallel_loop3A_272 = arith.constant 1 : i32
      %parallel_loop3A_273 = vector.broadcast %parallel_loop3A_272 : i32 to vector<16xi32>
      %parallel_loop3A_274 = arith.addi %parallel_loop3A_262, %parallel_loop3A_273 : vector<16xi32>
      %parallel_loop3A_275 = tpu.vector_load_idx %arg5[%parallel_loop3A_274] : memref<28xf32, #tpu.memory_space<vmem>>[vector<16xi32>], vector<16xf32>,
      %parallel_loop3A_276 = arith.constant 1 : i32
      %parallel_loop3A_277 = arith.index_cast %parallel_loop3A_250 : i32 to index
      %parallel_loop3A_278 = arith.index_cast %parallel_loop3A_276 : i32 to index
      %parallel_loop3A_279 = arith.index_cast %parallel_loop3A_254 : i32 to index
      %parallel_loop3A_280 = tpu.vector_load %arg8[%parallel_loop3A_277, %parallel_loop3A_278, %parallel_loop3A_279] {strides = array<i32>} : memref<100x4x128xf32, #tpu.memory_space<vmem>>, vector<16xf32>,
      tpu.vector_store %arg8[%parallel_loop3A_277, %parallel_loop3A_278, %parallel_loop3A_279], %parallel_loop3A_275 {strides = array<i32>} : memref<100x4x128xf32, #tpu.memory_space<vmem>>, vector<16xf32>,
      %parallel_loop3A_281 = arith.constant 2 : i32
      %parallel_loop3A_282 = vector.broadcast %parallel_loop3A_281 : i32 to vector<16xi32>
      %parallel_loop3A_283 = arith.addi %parallel_loop3A_262, %parallel_loop3A_282 : vector<16xi32>
      %parallel_loop3A_284 = tpu.vector_load_idx %arg5[%parallel_loop3A_283] : memref<28xf32, #tpu.memory_space<vmem>>[vector<16xi32>], vector<16xf32>,
      %parallel_loop3A_285 = arith.constant 2 : i32
      %parallel_loop3A_286 = arith.index_cast %parallel_loop3A_250 : i32 to index
      %parallel_loop3A_287 = arith.index_cast %parallel_loop3A_285 : i32 to index
      %parallel_loop3A_288 = arith.index_cast %parallel_loop3A_254 : i32 to index
      %parallel_loop3A_289 = tpu.vector_load %arg8[%parallel_loop3A_286, %parallel_loop3A_287, %parallel_loop3A_288] {strides = array<i32>} : memref<100x4x128xf32, #tpu.memory_space<vmem>>, vector<16xf32>,
      tpu.vector_store %arg8[%parallel_loop3A_286, %parallel_loop3A_287, %parallel_loop3A_288], %parallel_loop3A_284 {strides = array<i32>} : memref<100x4x128xf32, #tpu.memory_space<vmem>>, vector<16xf32>,
      %parallel_loop3A_290 = arith.constant 3 : i32
      %parallel_loop3A_291 = vector.broadcast %parallel_loop3A_290 : i32 to vector<16xi32>
      %parallel_loop3A_292 = arith.addi %parallel_loop3A_262, %parallel_loop3A_291 : vector<16xi32>
      %parallel_loop3A_293 = tpu.vector_load_idx %arg5[%parallel_loop3A_292] : memref<28xf32, #tpu.memory_space<vmem>>[vector<16xi32>], vector<16xf32>,
      %parallel_loop3A_294 = arith.constant 3 : i32
      %parallel_loop3A_295 = arith.index_cast %parallel_loop3A_250 : i32 to index
      %parallel_loop3A_296 = arith.index_cast %parallel_loop3A_294 : i32 to index
      %parallel_loop3A_297 = arith.index_cast %parallel_loop3A_254 : i32 to index
      %parallel_loop3A_298 = tpu.vector_load %arg8[%parallel_loop3A_295, %parallel_loop3A_296, %parallel_loop3A_297] {strides = array<i32>} : memref<100x4x128xf32, #tpu.memory_space<vmem>>, vector<16xf32>,
      tpu.vector_store %arg8[%parallel_loop3A_295, %parallel_loop3A_296, %parallel_loop3A_297], %parallel_loop3A_293 {strides = array<i32>} : memref<100x4x128xf32, #tpu.memory_space<vmem>>, vector<16xf32>,
    } {sc.loop_unroll_factor = 4 : i64, sc.parallel_access}
    %add3A_81 = arith.constant 200 : i32
    %add3A_82 = arith.addi %mul3A_2, %add3A_81 : i32
    %dma_start3A_83 = arith.constant 0 : i32
    %dma_start3A_84 = arith.constant 0 : i32
    %dma_start3A_85 = tpu.memref_slice %arg4[%add3A_82, %dma_start3A_83, %dma_start3A_84] : memref<25600x4x128xf32, #tpu.memory_space<hbm>> -> memref<100x4x128xf32, #tpu.memory_space<hbm>>
    %dma_start3A_86 = arith.constant 0 : i32
    %dma_start3A_87 = arith.constant 0 : i32
    %dma_start3A_88 = tpu.memref_slice %arg4[%add3A_82, %dma_start3A_86, %dma_start3A_87] : memref<25600x4x128xf32, #tpu.memory_space<hbm>> -> memref<100x4x128xf32, #tpu.memory_space<hbm>>
    tpu.enqueue_dma source(%arg8 : memref<100x4x128xf32, #tpu.memory_space<vmem>>) target(%dma_start3A_88 : memref<100x4x128xf32, #tpu.memory_space<hbm>>) target_semaphore(%arg13 : memref<!tpu.dma_semaphore, #tpu.memory_space<semaphore_mem>>)
    %add3A_89 = arith.constant 400 : i32
    %add3A_90 = arith.addi %mul3A_2, %add3A_89 : i32
    %dma_start3A_91 = arith.constant 0 : i32
    %dma_start3A_92 = arith.constant 0 : i32
    %dma_start3A_93 = tpu.memref_slice %arg2[%add3A_90, %dma_start3A_91, %dma_start3A_92] : memref<25600x8x128xi32, #tpu.memory_space<hbm>> -> memref<100x1x128xi32, #tpu.memory_space<hbm>>
    %dma_start3A_94 = arith.constant 0 : i32
    %dma_start3A_95 = arith.constant 0 : i32
    %dma_start3A_96 = tpu.memref_slice %arg2[%add3A_90, %dma_start3A_94, %dma_start3A_95] : memref<25600x8x128xi32, #tpu.memory_space<hbm>> -> memref<100x1x128xi32, #tpu.memory_space<hbm>>
    tpu.enqueue_dma source(%dma_start3A_96 : memref<100x1x128xi32, #tpu.memory_space<hbm>>) target(%arg6 : memref<100x1x128xi32, #tpu.memory_space<vmem>>) target_semaphore(%arg11 : memref<!tpu.dma_semaphore, #tpu.memory_space<semaphore_mem>>)
    %dma_wait3A_97 = arith.constant 0 : i32
    %dma_wait3A_98 = arith.constant 0 : i32
    %dma_wait3A_99 = tpu.memref_slice %arg2[%add3A_59, %dma_wait3A_97, %dma_wait3A_98] : memref<25600x8x128xi32, #tpu.memory_space<hbm>> -> memref<100x1x128xi32, #tpu.memory_space<hbm>>
    %dma_wait3A_100 = arith.constant 0 : i32
    %dma_wait3A_101 = arith.constant 0 : i32
    %dma_wait3A_102 = tpu.memref_slice %arg2[%add3A_59, %dma_wait3A_100, %dma_wait3A_101] : memref<25600x8x128xi32, #tpu.memory_space<hbm>> -> memref<100x1x128xi32, #tpu.memory_space<hbm>>
    tpu.wait_dma2 semaphore(%arg12 : memref<!tpu.dma_semaphore, #tpu.memory_space<semaphore_mem>>) src(%dma_wait3A_102 : memref<100x1x128xi32, #tpu.memory_space<hbm>>) dst(%arg7 : memref<100x1x128xi32, #tpu.memory_space<vmem>>)
    %dma_wait3A_103 = arith.constant 0 : i32
    %dma_wait3A_104 = arith.constant 0 : i32
    %dma_wait3A_105 = tpu.memref_slice %arg4[%add3A_51, %dma_wait3A_103, %dma_wait3A_104] : memref<25600x4x128xf32, #tpu.memory_space<hbm>> -> memref<100x4x128xf32, #tpu.memory_space<hbm>>
    %dma_wait3A_106 = arith.constant 0 : i32
    %dma_wait3A_107 = arith.constant 0 : i32
    %dma_wait3A_108 = tpu.memref_slice %arg4[%add3A_51, %dma_wait3A_106, %dma_wait3A_107] : memref<25600x4x128xf32, #tpu.memory_space<hbm>> -> memref<100x4x128xf32, #tpu.memory_space<hbm>>
    tpu.wait_dma2 semaphore(%arg14 : memref<!tpu.dma_semaphore, #tpu.memory_space<semaphore_mem>>) src(%arg9 : memref<100x4x128xf32, #tpu.memory_space<vmem>>) dst(%dma_wait3A_108 : memref<100x4x128xf32, #tpu.memory_space<hbm>>)
    %parallel_loop3A_109 = arith.constant 0 : i32
    %parallel_loop3A_110 = arith.constant 800 : i32
    %parallel_loop3A_111 = arith.constant 1 : i32
    scf.for %parallel_loop3A_248 = %parallel_loop3A_109 to %parallel_loop3A_110 step %parallel_loop3A_111  : i32 {
      %parallel_loop3A_249 = arith.constant 3 : i32
      %parallel_loop3A_250 = arith.shrui %parallel_loop3A_248, %parallel_loop3A_249 : i32
      %parallel_loop3A_251 = arith.constant 7 : i32
      %parallel_loop3A_252 = arith.andi %parallel_loop3A_248, %parallel_loop3A_251 : i32
      %parallel_loop3A_253 = arith.constant 4 : i32
      %parallel_loop3A_254 = arith.shli %parallel_loop3A_252, %parallel_loop3A_253 : i32
      %parallel_loop3A_255 = arith.constant 0 : i32
      %parallel_loop3A_256 = arith.index_cast %parallel_loop3A_250 : i32 to index
      %parallel_loop3A_257 = arith.index_cast %parallel_loop3A_255 : i32 to index
      %parallel_loop3A_258 = arith.index_cast %parallel_loop3A_254 : i32 to index
      %parallel_loop3A_259 = tpu.vector_load %arg7[%parallel_loop3A_256, %parallel_loop3A_257, %parallel_loop3A_258] {strides = array<i32>} : memref<100x1x128xi32, #tpu.memory_space<vmem>>, vector<16xi32>,
      %parallel_loop3A_260 = arith.constant 2 : i32
      %parallel_loop3A_261 = vector.broadcast %parallel_loop3A_260 : i32 to vector<16xi32>
      %parallel_loop3A_262 = arith.shli %parallel_loop3A_259, %parallel_loop3A_261 : vector<16xi32>
      %parallel_loop3A_263 = arith.constant 0 : i32
      %parallel_loop3A_264 = vector.broadcast %parallel_loop3A_263 : i32 to vector<16xi32>
      %parallel_loop3A_265 = arith.addi %parallel_loop3A_262, %parallel_loop3A_264 : vector<16xi32>
      %parallel_loop3A_266 = tpu.vector_load_idx %arg5[%parallel_loop3A_265] : memref<28xf32, #tpu.memory_space<vmem>>[vector<16xi32>], vector<16xf32>,
      %parallel_loop3A_267 = arith.constant 0 : i32
      %parallel_loop3A_268 = arith.index_cast %parallel_loop3A_250 : i32 to index
      %parallel_loop3A_269 = arith.index_cast %parallel_loop3A_267 : i32 to index
      %parallel_loop3A_270 = arith.index_cast %parallel_loop3A_254 : i32 to index
      %parallel_loop3A_271 = tpu.vector_load %arg9[%parallel_loop3A_268, %parallel_loop3A_269, %parallel_loop3A_270] {strides = array<i32>} : memref<100x4x128xf32, #tpu.memory_space<vmem>>, vector<16xf32>,
      tpu.vector_store %arg9[%parallel_loop3A_268, %parallel_loop3A_269, %parallel_loop3A_270], %parallel_loop3A_266 {strides = array<i32>} : memref<100x4x128xf32, #tpu.memory_space<vmem>>, vector<16xf32>,
      %parallel_loop3A_272 = arith.constant 1 : i32
      %parallel_loop3A_273 = vector.broadcast %parallel_loop3A_272 : i32 to vector<16xi32>
      %parallel_loop3A_274 = arith.addi %parallel_loop3A_262, %parallel_loop3A_273 : vector<16xi32>
      %parallel_loop3A_275 = tpu.vector_load_idx %arg5[%parallel_loop3A_274] : memref<28xf32, #tpu.memory_space<vmem>>[vector<16xi32>], vector<16xf32>,
      %parallel_loop3A_276 = arith.constant 1 : i32
      %parallel_loop3A_277 = arith.index_cast %parallel_loop3A_250 : i32 to index
      %parallel_loop3A_278 = arith.index_cast %parallel_loop3A_276 : i32 to index
      %parallel_loop3A_279 = arith.index_cast %parallel_loop3A_254 : i32 to index
      %parallel_loop3A_280 = tpu.vector_load %arg9[%parallel_loop3A_277, %parallel_loop3A_278, %parallel_loop3A_279] {strides = array<i32>} : memref<100x4x128xf32, #tpu.memory_space<vmem>>, vector<16xf32>,
      tpu.vector_store %arg9[%parallel_loop3A_277, %parallel_loop3A_278, %parallel_loop3A_279], %parallel_loop3A_275 {strides = array<i32>} : memref<100x4x128xf32, #tpu.memory_space<vmem>>, vector<16xf32>,
      %parallel_loop3A_281 = arith.constant 2 : i32
      %parallel_loop3A_282 = vector.broadcast %parallel_loop3A_281 : i32 to vector<16xi32>
      %parallel_loop3A_283 = arith.addi %parallel_loop3A_262, %parallel_loop3A_282 : vector<16xi32>
      %parallel_loop3A_284 = tpu.vector_load_idx %arg5[%parallel_loop3A_283] : memref<28xf32, #tpu.memory_space<vmem>>[vector<16xi32>], vector<16xf32>,
      %parallel_loop3A_285 = arith.constant 2 : i32
      %parallel_loop3A_286 = arith.index_cast %parallel_loop3A_250 : i32 to index
      %parallel_loop3A_287 = arith.index_cast %parallel_loop3A_285 : i32 to index
      %parallel_loop3A_288 = arith.index_cast %parallel_loop3A_254 : i32 to index
      %parallel_loop3A_289 = tpu.vector_load %arg9[%parallel_loop3A_286, %parallel_loop3A_287, %parallel_loop3A_288] {strides = array<i32>} : memref<100x4x128xf32, #tpu.memory_space<vmem>>, vector<16xf32>,
      tpu.vector_store %arg9[%parallel_loop3A_286, %parallel_loop3A_287, %parallel_loop3A_288], %parallel_loop3A_284 {strides = array<i32>} : memref<100x4x128xf32, #tpu.memory_space<vmem>>, vector<16xf32>,
      %parallel_loop3A_290 = arith.constant 3 : i32
      %parallel_loop3A_291 = vector.broadcast %parallel_loop3A_290 : i32 to vector<16xi32>
      %parallel_loop3A_292 = arith.addi %parallel_loop3A_262, %parallel_loop3A_291 : vector<16xi32>
      %parallel_loop3A_293 = tpu.vector_load_idx %arg5[%parallel_loop3A_292] : memref<28xf32, #tpu.memory_space<vmem>>[vector<16xi32>], vector<16xf32>,
      %parallel_loop3A_294 = arith.constant 3 : i32
      %parallel_loop3A_295 = arith.index_cast %parallel_loop3A_250 : i32 to index
      %parallel_loop3A_296 = arith.index_cast %parallel_loop3A_294 : i32 to index
      %parallel_loop3A_297 = arith.index_cast %parallel_loop3A_254 : i32 to index
      %parallel_loop3A_298 = tpu.vector_load %arg9[%parallel_loop3A_295, %parallel_loop3A_296, %parallel_loop3A_297] {strides = array<i32>} : memref<100x4x128xf32, #tpu.memory_space<vmem>>, vector<16xf32>,
      tpu.vector_store %arg9[%parallel_loop3A_295, %parallel_loop3A_296, %parallel_loop3A_297], %parallel_loop3A_293 {strides = array<i32>} : memref<100x4x128xf32, #tpu.memory_space<vmem>>, vector<16xf32>,
    } {sc.loop_unroll_factor = 4 : i64, sc.parallel_access}
    %add3A_112 = arith.constant 300 : i32
    %add3A_113 = arith.addi %mul3A_2, %add3A_112 : i32
    %dma_start3A_114 = arith.constant 0 : i32
    %dma_start3A_115 = arith.constant 0 : i32
    %dma_start3A_116 = tpu.memref_slice %arg4[%add3A_113, %dma_start3A_114, %dma_start3A_115] : memref<25600x4x128xf32, #tpu.memory_space<hbm>> -> memref<100x4x128xf32, #tpu.memory_space<hbm>>
    %dma_start3A_117 = arith.constant 0 : i32
    %dma_start3A_118 = arith.constant 0 : i32
    %dma_start3A_119 = tpu.memref_slice %arg4[%add3A_113, %dma_start3A_117, %dma_start3A_118] : memref<25600x4x128xf32, #tpu.memory_space<hbm>> -> memref<100x4x128xf32, #tpu.memory_space<hbm>>
    tpu.enqueue_dma source(%arg9 : memref<100x4x128xf32, #tpu.memory_space<vmem>>) target(%dma_start3A_119 : memref<100x4x128xf32, #tpu.memory_space<hbm>>) target_semaphore(%arg14 : memref<!tpu.dma_semaphore, #tpu.memory_space<semaphore_mem>>)
    %add3A_120 = arith.constant 500 : i32
    %add3A_121 = arith.addi %mul3A_2, %add3A_120 : i32
    %dma_start3A_122 = arith.constant 0 : i32
    %dma_start3A_123 = arith.constant 0 : i32
    %dma_start3A_124 = tpu.memref_slice %arg2[%add3A_121, %dma_start3A_122, %dma_start3A_123] : memref<25600x8x128xi32, #tpu.memory_space<hbm>> -> memref<100x1x128xi32, #tpu.memory_space<hbm>>
    %dma_start3A_125 = arith.constant 0 : i32
    %dma_start3A_126 = arith.constant 0 : i32
    %dma_start3A_127 = tpu.memref_slice %arg2[%add3A_121, %dma_start3A_125, %dma_start3A_126] : memref<25600x8x128xi32, #tpu.memory_space<hbm>> -> memref<100x1x128xi32, #tpu.memory_space<hbm>>
    tpu.enqueue_dma source(%dma_start3A_127 : memref<100x1x128xi32, #tpu.memory_space<hbm>>) target(%arg7 : memref<100x1x128xi32, #tpu.memory_space<vmem>>) target_semaphore(%arg12 : memref<!tpu.dma_semaphore, #tpu.memory_space<semaphore_mem>>)
    %dma_wait3A_128 = arith.constant 0 : i32
    %dma_wait3A_129 = arith.constant 0 : i32
    %dma_wait3A_130 = tpu.memref_slice %arg2[%add3A_90, %dma_wait3A_128, %dma_wait3A_129] : memref<25600x8x128xi32, #tpu.memory_space<hbm>> -> memref<100x1x128xi32, #tpu.memory_space<hbm>>
    %dma_wait3A_131 = arith.constant 0 : i32
    %dma_wait3A_132 = arith.constant 0 : i32
    %dma_wait3A_133 = tpu.memref_slice %arg2[%add3A_90, %dma_wait3A_131, %dma_wait3A_132] : memref<25600x8x128xi32, #tpu.memory_space<hbm>> -> memref<100x1x128xi32, #tpu.memory_space<hbm>>
    tpu.wait_dma2 semaphore(%arg11 : memref<!tpu.dma_semaphore, #tpu.memory_space<semaphore_mem>>) src(%dma_wait3A_133 : memref<100x1x128xi32, #tpu.memory_space<hbm>>) dst(%arg6 : memref<100x1x128xi32, #tpu.memory_space<vmem>>)
    %dma_wait3A_134 = arith.constant 0 : i32
    %dma_wait3A_135 = arith.constant 0 : i32
    %dma_wait3A_136 = tpu.memref_slice %arg4[%add3A_82, %dma_wait3A_134, %dma_wait3A_135] : memref<25600x4x128xf32, #tpu.memory_space<hbm>> -> memref<100x4x128xf32, #tpu.memory_space<hbm>>
    %dma_wait3A_137 = arith.constant 0 : i32
    %dma_wait3A_138 = arith.constant 0 : i32
    %dma_wait3A_139 = tpu.memref_slice %arg4[%add3A_82, %dma_wait3A_137, %dma_wait3A_138] : memref<25600x4x128xf32, #tpu.memory_space<hbm>> -> memref<100x4x128xf32, #tpu.memory_space<hbm>>
    tpu.wait_dma2 semaphore(%arg13 : memref<!tpu.dma_semaphore, #tpu.memory_space<semaphore_mem>>) src(%arg8 : memref<100x4x128xf32, #tpu.memory_space<vmem>>) dst(%dma_wait3A_139 : memref<100x4x128xf32, #tpu.memory_space<hbm>>)
    %parallel_loop3A_140 = arith.constant 0 : i32
    %parallel_loop3A_141 = arith.constant 800 : i32
    %parallel_loop3A_142 = arith.constant 1 : i32
    scf.for %parallel_loop3A_248 = %parallel_loop3A_140 to %parallel_loop3A_141 step %parallel_loop3A_142  : i32 {
      %parallel_loop3A_249 = arith.constant 3 : i32
      %parallel_loop3A_250 = arith.shrui %parallel_loop3A_248, %parallel_loop3A_249 : i32
      %parallel_loop3A_251 = arith.constant 7 : i32
      %parallel_loop3A_252 = arith.andi %parallel_loop3A_248, %parallel_loop3A_251 : i32
      %parallel_loop3A_253 = arith.constant 4 : i32
      %parallel_loop3A_254 = arith.shli %parallel_loop3A_252, %parallel_loop3A_253 : i32
      %parallel_loop3A_255 = arith.constant 0 : i32
      %parallel_loop3A_256 = arith.index_cast %parallel_loop3A_250 : i32 to index
      %parallel_loop3A_257 = arith.index_cast %parallel_loop3A_255 : i32 to index
      %parallel_loop3A_258 = arith.index_cast %parallel_loop3A_254 : i32 to index
      %parallel_loop3A_259 = tpu.vector_load %arg6[%parallel_loop3A_256, %parallel_loop3A_257, %parallel_loop3A_258] {strides = array<i32>} : memref<100x1x128xi32, #tpu.memory_space<vmem>>, vector<16xi32>,
      %parallel_loop3A_260 = arith.constant 2 : i32
      %parallel_loop3A_261 = vector.broadcast %parallel_loop3A_260 : i32 to vector<16xi32>
      %parallel_loop3A_262 = arith.shli %parallel_loop3A_259, %parallel_loop3A_261 : vector<16xi32>
      %parallel_loop3A_263 = arith.constant 0 : i32
      %parallel_loop3A_264 = vector.broadcast %parallel_loop3A_263 : i32 to vector<16xi32>
      %parallel_loop3A_265 = arith.addi %parallel_loop3A_262, %parallel_loop3A_264 : vector<16xi32>
      %parallel_loop3A_266 = tpu.vector_load_idx %arg5[%parallel_loop3A_265] : memref<28xf32, #tpu.memory_space<vmem>>[vector<16xi32>], vector<16xf32>,
      %parallel_loop3A_267 = arith.constant 0 : i32
      %parallel_loop3A_268 = arith.index_cast %parallel_loop3A_250 : i32 to index
      %parallel_loop3A_269 = arith.index_cast %parallel_loop3A_267 : i32 to index
      %parallel_loop3A_270 = arith.index_cast %parallel_loop3A_254 : i32 to index
      %parallel_loop3A_271 = tpu.vector_load %arg8[%parallel_loop3A_268, %parallel_loop3A_269, %parallel_loop3A_270] {strides = array<i32>} : memref<100x4x128xf32, #tpu.memory_space<vmem>>, vector<16xf32>,
      tpu.vector_store %arg8[%parallel_loop3A_268, %parallel_loop3A_269, %parallel_loop3A_270], %parallel_loop3A_266 {strides = array<i32>} : memref<100x4x128xf32, #tpu.memory_space<vmem>>, vector<16xf32>,
      %parallel_loop3A_272 = arith.constant 1 : i32
      %parallel_loop3A_273 = vector.broadcast %parallel_loop3A_272 : i32 to vector<16xi32>
      %parallel_loop3A_274 = arith.addi %parallel_loop3A_262, %parallel_loop3A_273 : vector<16xi32>
      %parallel_loop3A_275 = tpu.vector_load_idx %arg5[%parallel_loop3A_274] : memref<28xf32, #tpu.memory_space<vmem>>[vector<16xi32>], vector<16xf32>,
      %parallel_loop3A_276 = arith.constant 1 : i32
      %parallel_loop3A_277 = arith.index_cast %parallel_loop3A_250 : i32 to index
      %parallel_loop3A_278 = arith.index_cast %parallel_loop3A_276 : i32 to index
      %parallel_loop3A_279 = arith.index_cast %parallel_loop3A_254 : i32 to index
      %parallel_loop3A_280 = tpu.vector_load %arg8[%parallel_loop3A_277, %parallel_loop3A_278, %parallel_loop3A_279] {strides = array<i32>} : memref<100x4x128xf32, #tpu.memory_space<vmem>>, vector<16xf32>,
      tpu.vector_store %arg8[%parallel_loop3A_277, %parallel_loop3A_278, %parallel_loop3A_279], %parallel_loop3A_275 {strides = array<i32>} : memref<100x4x128xf32, #tpu.memory_space<vmem>>, vector<16xf32>,
      %parallel_loop3A_281 = arith.constant 2 : i32
      %parallel_loop3A_282 = vector.broadcast %parallel_loop3A_281 : i32 to vector<16xi32>
      %parallel_loop3A_283 = arith.addi %parallel_loop3A_262, %parallel_loop3A_282 : vector<16xi32>
      %parallel_loop3A_284 = tpu.vector_load_idx %arg5[%parallel_loop3A_283] : memref<28xf32, #tpu.memory_space<vmem>>[vector<16xi32>], vector<16xf32>,
      %parallel_loop3A_285 = arith.constant 2 : i32
      %parallel_loop3A_286 = arith.index_cast %parallel_loop3A_250 : i32 to index
      %parallel_loop3A_287 = arith.index_cast %parallel_loop3A_285 : i32 to index
      %parallel_loop3A_288 = arith.index_cast %parallel_loop3A_254 : i32 to index
      %parallel_loop3A_289 = tpu.vector_load %arg8[%parallel_loop3A_286, %parallel_loop3A_287, %parallel_loop3A_288] {strides = array<i32>} : memref<100x4x128xf32, #tpu.memory_space<vmem>>, vector<16xf32>,
      tpu.vector_store %arg8[%parallel_loop3A_286, %parallel_loop3A_287, %parallel_loop3A_288], %parallel_loop3A_284 {strides = array<i32>} : memref<100x4x128xf32, #tpu.memory_space<vmem>>, vector<16xf32>,
      %parallel_loop3A_290 = arith.constant 3 : i32
      %parallel_loop3A_291 = vector.broadcast %parallel_loop3A_290 : i32 to vector<16xi32>
      %parallel_loop3A_292 = arith.addi %parallel_loop3A_262, %parallel_loop3A_291 : vector<16xi32>
      %parallel_loop3A_293 = tpu.vector_load_idx %arg5[%parallel_loop3A_292] : memref<28xf32, #tpu.memory_space<vmem>>[vector<16xi32>], vector<16xf32>,
      %parallel_loop3A_294 = arith.constant 3 : i32
      %parallel_loop3A_295 = arith.index_cast %parallel_loop3A_250 : i32 to index
      %parallel_loop3A_296 = arith.index_cast %parallel_loop3A_294 : i32 to index
      %parallel_loop3A_297 = arith.index_cast %parallel_loop3A_254 : i32 to index
      %parallel_loop3A_298 = tpu.vector_load %arg8[%parallel_loop3A_295, %parallel_loop3A_296, %parallel_loop3A_297] {strides = array<i32>} : memref<100x4x128xf32, #tpu.memory_space<vmem>>, vector<16xf32>,
      tpu.vector_store %arg8[%parallel_loop3A_295, %parallel_loop3A_296, %parallel_loop3A_297], %parallel_loop3A_293 {strides = array<i32>} : memref<100x4x128xf32, #tpu.memory_space<vmem>>, vector<16xf32>,
    } {sc.loop_unroll_factor = 4 : i64, sc.parallel_access}
    %add3A_143 = arith.constant 400 : i32
    %add3A_144 = arith.addi %mul3A_2, %add3A_143 : i32
    %dma_start3A_145 = arith.constant 0 : i32
    %dma_start3A_146 = arith.constant 0 : i32
    %dma_start3A_147 = tpu.memref_slice %arg4[%add3A_144, %dma_start3A_145, %dma_start3A_146] : memref<25600x4x128xf32, #tpu.memory_space<hbm>> -> memref<100x4x128xf32, #tpu.memory_space<hbm>>
    %dma_start3A_148 = arith.constant 0 : i32
    %dma_start3A_149 = arith.constant 0 : i32
    %dma_start3A_150 = tpu.memref_slice %arg4[%add3A_144, %dma_start3A_148, %dma_start3A_149] : memref<25600x4x128xf32, #tpu.memory_space<hbm>> -> memref<100x4x128xf32, #tpu.memory_space<hbm>>
    tpu.enqueue_dma source(%arg8 : memref<100x4x128xf32, #tpu.memory_space<vmem>>) target(%dma_start3A_150 : memref<100x4x128xf32, #tpu.memory_space<hbm>>) target_semaphore(%arg13 : memref<!tpu.dma_semaphore, #tpu.memory_space<semaphore_mem>>)
    %add3A_151 = arith.constant 600 : i32
    %add3A_152 = arith.addi %mul3A_2, %add3A_151 : i32
    %dma_start3A_153 = arith.constant 0 : i32
    %dma_start3A_154 = arith.constant 0 : i32
    %dma_start3A_155 = tpu.memref_slice %arg2[%add3A_152, %dma_start3A_153, %dma_start3A_154] : memref<25600x8x128xi32, #tpu.memory_space<hbm>> -> memref<100x1x128xi32, #tpu.memory_space<hbm>>
    %dma_start3A_156 = arith.constant 0 : i32
    %dma_start3A_157 = arith.constant 0 : i32
    %dma_start3A_158 = tpu.memref_slice %arg2[%add3A_152, %dma_start3A_156, %dma_start3A_157] : memref<25600x8x128xi32, #tpu.memory_space<hbm>> -> memref<100x1x128xi32, #tpu.memory_space<hbm>>
    tpu.enqueue_dma source(%dma_start3A_158 : memref<100x1x128xi32, #tpu.memory_space<hbm>>) target(%arg6 : memref<100x1x128xi32, #tpu.memory_space<vmem>>) target_semaphore(%arg11 : memref<!tpu.dma_semaphore, #tpu.memory_space<semaphore_mem>>)
    %dma_wait3A_159 = arith.constant 0 : i32
    %dma_wait3A_160 = arith.constant 0 : i32
    %dma_wait3A_161 = tpu.memref_slice %arg2[%add3A_121, %dma_wait3A_159, %dma_wait3A_160] : memref<25600x8x128xi32, #tpu.memory_space<hbm>> -> memref<100x1x128xi32, #tpu.memory_space<hbm>>
    %dma_wait3A_162 = arith.constant 0 : i32
    %dma_wait3A_163 = arith.constant 0 : i32
    %dma_wait3A_164 = tpu.memref_slice %arg2[%add3A_121, %dma_wait3A_162, %dma_wait3A_163] : memref<25600x8x128xi32, #tpu.memory_space<hbm>> -> memref<100x1x128xi32, #tpu.memory_space<hbm>>
    tpu.wait_dma2 semaphore(%arg12 : memref<!tpu.dma_semaphore, #tpu.memory_space<semaphore_mem>>) src(%dma_wait3A_164 : memref<100x1x128xi32, #tpu.memory_space<hbm>>) dst(%arg7 : memref<100x1x128xi32, #tpu.memory_space<vmem>>)
    %dma_wait3A_165 = arith.constant 0 : i32
    %dma_wait3A_166 = arith.constant 0 : i32
    %dma_wait3A_167 = tpu.memref_slice %arg4[%add3A_113, %dma_wait3A_165, %dma_wait3A_166] : memref<25600x4x128xf32, #tpu.memory_space<hbm>> -> memref<100x4x128xf32, #tpu.memory_space<hbm>>
    %dma_wait3A_168 = arith.constant 0 : i32
    %dma_wait3A_169 = arith.constant 0 : i32
    %dma_wait3A_170 = tpu.memref_slice %arg4[%add3A_113, %dma_wait3A_168, %dma_wait3A_169] : memref<25600x4x128xf32, #tpu.memory_space<hbm>> -> memref<100x4x128xf32, #tpu.memory_space<hbm>>
    tpu.wait_dma2 semaphore(%arg14 : memref<!tpu.dma_semaphore, #tpu.memory_space<semaphore_mem>>) src(%arg9 : memref<100x4x128xf32, #tpu.memory_space<vmem>>) dst(%dma_wait3A_170 : memref<100x4x128xf32, #tpu.memory_space<hbm>>)
    %parallel_loop3A_171 = arith.constant 0 : i32
    %parallel_loop3A_172 = arith.constant 800 : i32
    %parallel_loop3A_173 = arith.constant 1 : i32
    scf.for %parallel_loop3A_248 = %parallel_loop3A_171 to %parallel_loop3A_172 step %parallel_loop3A_173  : i32 {
      %parallel_loop3A_249 = arith.constant 3 : i32
      %parallel_loop3A_250 = arith.shrui %parallel_loop3A_248, %parallel_loop3A_249 : i32
      %parallel_loop3A_251 = arith.constant 7 : i32
      %parallel_loop3A_252 = arith.andi %parallel_loop3A_248, %parallel_loop3A_251 : i32
      %parallel_loop3A_253 = arith.constant 4 : i32
      %parallel_loop3A_254 = arith.shli %parallel_loop3A_252, %parallel_loop3A_253 : i32
      %parallel_loop3A_255 = arith.constant 0 : i32
      %parallel_loop3A_256 = arith.index_cast %parallel_loop3A_250 : i32 to index
      %parallel_loop3A_257 = arith.index_cast %parallel_loop3A_255 : i32 to index
      %parallel_loop3A_258 = arith.index_cast %parallel_loop3A_254 : i32 to index
      %parallel_loop3A_259 = tpu.vector_load %arg7[%parallel_loop3A_256, %parallel_loop3A_257, %parallel_loop3A_258] {strides = array<i32>} : memref<100x1x128xi32, #tpu.memory_space<vmem>>, vector<16xi32>,
      %parallel_loop3A_260 = arith.constant 2 : i32
      %parallel_loop3A_261 = vector.broadcast %parallel_loop3A_260 : i32 to vector<16xi32>
      %parallel_loop3A_262 = arith.shli %parallel_loop3A_259, %parallel_loop3A_261 : vector<16xi32>
      %parallel_loop3A_263 = arith.constant 0 : i32
      %parallel_loop3A_264 = vector.broadcast %parallel_loop3A_263 : i32 to vector<16xi32>
      %parallel_loop3A_265 = arith.addi %parallel_loop3A_262, %parallel_loop3A_264 : vector<16xi32>
      %parallel_loop3A_266 = tpu.vector_load_idx %arg5[%parallel_loop3A_265] : memref<28xf32, #tpu.memory_space<vmem>>[vector<16xi32>], vector<16xf32>,
      %parallel_loop3A_267 = arith.constant 0 : i32
      %parallel_loop3A_268 = arith.index_cast %parallel_loop3A_250 : i32 to index
      %parallel_loop3A_269 = arith.index_cast %parallel_loop3A_267 : i32 to index
      %parallel_loop3A_270 = arith.index_cast %parallel_loop3A_254 : i32 to index
      %parallel_loop3A_271 = tpu.vector_load %arg9[%parallel_loop3A_268, %parallel_loop3A_269, %parallel_loop3A_270] {strides = array<i32>} : memref<100x4x128xf32, #tpu.memory_space<vmem>>, vector<16xf32>,
      tpu.vector_store %arg9[%parallel_loop3A_268, %parallel_loop3A_269, %parallel_loop3A_270], %parallel_loop3A_266 {strides = array<i32>} : memref<100x4x128xf32, #tpu.memory_space<vmem>>, vector<16xf32>,
      %parallel_loop3A_272 = arith.constant 1 : i32
      %parallel_loop3A_273 = vector.broadcast %parallel_loop3A_272 : i32 to vector<16xi32>
      %parallel_loop3A_274 = arith.addi %parallel_loop3A_262, %parallel_loop3A_273 : vector<16xi32>
      %parallel_loop3A_275 = tpu.vector_load_idx %arg5[%parallel_loop3A_274] : memref<28xf32, #tpu.memory_space<vmem>>[vector<16xi32>], vector<16xf32>,
      %parallel_loop3A_276 = arith.constant 1 : i32
      %parallel_loop3A_277 = arith.index_cast %parallel_loop3A_250 : i32 to index
      %parallel_loop3A_278 = arith.index_cast %parallel_loop3A_276 : i32 to index
      %parallel_loop3A_279 = arith.index_cast %parallel_loop3A_254 : i32 to index
      %parallel_loop3A_280 = tpu.vector_load %arg9[%parallel_loop3A_277, %parallel_loop3A_278, %parallel_loop3A_279] {strides = array<i32>} : memref<100x4x128xf32, #tpu.memory_space<vmem>>, vector<16xf32>,
      tpu.vector_store %arg9[%parallel_loop3A_277, %parallel_loop3A_278, %parallel_loop3A_279], %parallel_loop3A_275 {strides = array<i32>} : memref<100x4x128xf32, #tpu.memory_space<vmem>>, vector<16xf32>,
      %parallel_loop3A_281 = arith.constant 2 : i32
      %parallel_loop3A_282 = vector.broadcast %parallel_loop3A_281 : i32 to vector<16xi32>
      %parallel_loop3A_283 = arith.addi %parallel_loop3A_262, %parallel_loop3A_282 : vector<16xi32>
      %parallel_loop3A_284 = tpu.vector_load_idx %arg5[%parallel_loop3A_283] : memref<28xf32, #tpu.memory_space<vmem>>[vector<16xi32>], vector<16xf32>,
      %parallel_loop3A_285 = arith.constant 2 : i32
      %parallel_loop3A_286 = arith.index_cast %parallel_loop3A_250 : i32 to index
      %parallel_loop3A_287 = arith.index_cast %parallel_loop3A_285 : i32 to index
      %parallel_loop3A_288 = arith.index_cast %parallel_loop3A_254 : i32 to index
      %parallel_loop3A_289 = tpu.vector_load %arg9[%parallel_loop3A_286, %parallel_loop3A_287, %parallel_loop3A_288] {strides = array<i32>} : memref<100x4x128xf32, #tpu.memory_space<vmem>>, vector<16xf32>,
      tpu.vector_store %arg9[%parallel_loop3A_286, %parallel_loop3A_287, %parallel_loop3A_288], %parallel_loop3A_284 {strides = array<i32>} : memref<100x4x128xf32, #tpu.memory_space<vmem>>, vector<16xf32>,
      %parallel_loop3A_290 = arith.constant 3 : i32
      %parallel_loop3A_291 = vector.broadcast %parallel_loop3A_290 : i32 to vector<16xi32>
      %parallel_loop3A_292 = arith.addi %parallel_loop3A_262, %parallel_loop3A_291 : vector<16xi32>
      %parallel_loop3A_293 = tpu.vector_load_idx %arg5[%parallel_loop3A_292] : memref<28xf32, #tpu.memory_space<vmem>>[vector<16xi32>], vector<16xf32>,
      %parallel_loop3A_294 = arith.constant 3 : i32
      %parallel_loop3A_295 = arith.index_cast %parallel_loop3A_250 : i32 to index
      %parallel_loop3A_296 = arith.index_cast %parallel_loop3A_294 : i32 to index
      %parallel_loop3A_297 = arith.index_cast %parallel_loop3A_254 : i32 to index
      %parallel_loop3A_298 = tpu.vector_load %arg9[%parallel_loop3A_295, %parallel_loop3A_296, %parallel_loop3A_297] {strides = array<i32>} : memref<100x4x128xf32, #tpu.memory_space<vmem>>, vector<16xf32>,
      tpu.vector_store %arg9[%parallel_loop3A_295, %parallel_loop3A_296, %parallel_loop3A_297], %parallel_loop3A_293 {strides = array<i32>} : memref<100x4x128xf32, #tpu.memory_space<vmem>>, vector<16xf32>,
    } {sc.loop_unroll_factor = 4 : i64, sc.parallel_access}
    %add3A_174 = arith.constant 500 : i32
    %add3A_175 = arith.addi %mul3A_2, %add3A_174 : i32
    %dma_start3A_176 = arith.constant 0 : i32
    %dma_start3A_177 = arith.constant 0 : i32
    %dma_start3A_178 = tpu.memref_slice %arg4[%add3A_175, %dma_start3A_176, %dma_start3A_177] : memref<25600x4x128xf32, #tpu.memory_space<hbm>> -> memref<100x4x128xf32, #tpu.memory_space<hbm>>
    %dma_start3A_179 = arith.constant 0 : i32
    %dma_start3A_180 = arith.constant 0 : i32
    %dma_start3A_181 = tpu.memref_slice %arg4[%add3A_175, %dma_start3A_179, %dma_start3A_180] : memref<25600x4x128xf32, #tpu.memory_space<hbm>> -> memref<100x4x128xf32, #tpu.memory_space<hbm>>
    tpu.enqueue_dma source(%arg9 : memref<100x4x128xf32, #tpu.memory_space<vmem>>) target(%dma_start3A_181 : memref<100x4x128xf32, #tpu.memory_space<hbm>>) target_semaphore(%arg14 : memref<!tpu.dma_semaphore, #tpu.memory_space<semaphore_mem>>)
    %add3A_182 = arith.constant 700 : i32
    %add3A_183 = arith.addi %mul3A_2, %add3A_182 : i32
    %dma_start3A_184 = arith.constant 0 : i32
    %dma_start3A_185 = arith.constant 0 : i32
    %dma_start3A_186 = tpu.memref_slice %arg2[%add3A_183, %dma_start3A_184, %dma_start3A_185] : memref<25600x8x128xi32, #tpu.memory_space<hbm>> -> memref<100x1x128xi32, #tpu.memory_space<hbm>>
    %dma_start3A_187 = arith.constant 0 : i32
    %dma_start3A_188 = arith.constant 0 : i32
    %dma_start3A_189 = tpu.memref_slice %arg2[%add3A_183, %dma_start3A_187, %dma_start3A_188] : memref<25600x8x128xi32, #tpu.memory_space<hbm>> -> memref<100x1x128xi32, #tpu.memory_space<hbm>>
    tpu.enqueue_dma source(%dma_start3A_189 : memref<100x1x128xi32, #tpu.memory_space<hbm>>) target(%arg7 : memref<100x1x128xi32, #tpu.memory_space<vmem>>) target_semaphore(%arg12 : memref<!tpu.dma_semaphore, #tpu.memory_space<semaphore_mem>>)
    %dma_wait3A_190 = arith.constant 0 : i32
    %dma_wait3A_191 = arith.constant 0 : i32
    %dma_wait3A_192 = tpu.memref_slice %arg2[%add3A_152, %dma_wait3A_190, %dma_wait3A_191] : memref<25600x8x128xi32, #tpu.memory_space<hbm>> -> memref<100x1x128xi32, #tpu.memory_space<hbm>>
    %dma_wait3A_193 = arith.constant 0 : i32
    %dma_wait3A_194 = arith.constant 0 : i32
    %dma_wait3A_195 = tpu.memref_slice %arg2[%add3A_152, %dma_wait3A_193, %dma_wait3A_194] : memref<25600x8x128xi32, #tpu.memory_space<hbm>> -> memref<100x1x128xi32, #tpu.memory_space<hbm>>
    tpu.wait_dma2 semaphore(%arg11 : memref<!tpu.dma_semaphore, #tpu.memory_space<semaphore_mem>>) src(%dma_wait3A_195 : memref<100x1x128xi32, #tpu.memory_space<hbm>>) dst(%arg6 : memref<100x1x128xi32, #tpu.memory_space<vmem>>)
    %dma_wait3A_196 = arith.constant 0 : i32
    %dma_wait3A_197 = arith.constant 0 : i32
    %dma_wait3A_198 = tpu.memref_slice %arg4[%add3A_144, %dma_wait3A_196, %dma_wait3A_197] : memref<25600x4x128xf32, #tpu.memory_space<hbm>> -> memref<100x4x128xf32, #tpu.memory_space<hbm>>
    %dma_wait3A_199 = arith.constant 0 : i32
    %dma_wait3A_200 = arith.constant 0 : i32
    %dma_wait3A_201 = tpu.memref_slice %arg4[%add3A_144, %dma_wait3A_199, %dma_wait3A_200] : memref<25600x4x128xf32, #tpu.memory_space<hbm>> -> memref<100x4x128xf32, #tpu.memory_space<hbm>>
    tpu.wait_dma2 semaphore(%arg13 : memref<!tpu.dma_semaphore, #tpu.memory_space<semaphore_mem>>) src(%arg8 : memref<100x4x128xf32, #tpu.memory_space<vmem>>) dst(%dma_wait3A_201 : memref<100x4x128xf32, #tpu.memory_space<hbm>>)
    %parallel_loop3A_202 = arith.constant 0 : i32
    %parallel_loop3A_203 = arith.constant 800 : i32
    %parallel_loop3A_204 = arith.constant 1 : i32
    scf.for %parallel_loop3A_248 = %parallel_loop3A_202 to %parallel_loop3A_203 step %parallel_loop3A_204  : i32 {
      %parallel_loop3A_249 = arith.constant 3 : i32
      %parallel_loop3A_250 = arith.shrui %parallel_loop3A_248, %parallel_loop3A_249 : i32
      %parallel_loop3A_251 = arith.constant 7 : i32
      %parallel_loop3A_252 = arith.andi %parallel_loop3A_248, %parallel_loop3A_251 : i32
      %parallel_loop3A_253 = arith.constant 4 : i32
      %parallel_loop3A_254 = arith.shli %parallel_loop3A_252, %parallel_loop3A_253 : i32
      %parallel_loop3A_255 = arith.constant 0 : i32
      %parallel_loop3A_256 = arith.index_cast %parallel_loop3A_250 : i32 to index
      %parallel_loop3A_257 = arith.index_cast %parallel_loop3A_255 : i32 to index
      %parallel_loop3A_258 = arith.index_cast %parallel_loop3A_254 : i32 to index
      %parallel_loop3A_259 = tpu.vector_load %arg6[%parallel_loop3A_256, %parallel_loop3A_257, %parallel_loop3A_258] {strides = array<i32>} : memref<100x1x128xi32, #tpu.memory_space<vmem>>, vector<16xi32>,
      %parallel_loop3A_260 = arith.constant 2 : i32
      %parallel_loop3A_261 = vector.broadcast %parallel_loop3A_260 : i32 to vector<16xi32>
      %parallel_loop3A_262 = arith.shli %parallel_loop3A_259, %parallel_loop3A_261 : vector<16xi32>
      %parallel_loop3A_263 = arith.constant 0 : i32
      %parallel_loop3A_264 = vector.broadcast %parallel_loop3A_263 : i32 to vector<16xi32>
      %parallel_loop3A_265 = arith.addi %parallel_loop3A_262, %parallel_loop3A_264 : vector<16xi32>
      %parallel_loop3A_266 = tpu.vector_load_idx %arg5[%parallel_loop3A_265] : memref<28xf32, #tpu.memory_space<vmem>>[vector<16xi32>], vector<16xf32>,
      %parallel_loop3A_267 = arith.constant 0 : i32
      %parallel_loop3A_268 = arith.index_cast %parallel_loop3A_250 : i32 to index
      %parallel_loop3A_269 = arith.index_cast %parallel_loop3A_267 : i32 to index
      %parallel_loop3A_270 = arith.index_cast %parallel_loop3A_254 : i32 to index
      %parallel_loop3A_271 = tpu.vector_load %arg8[%parallel_loop3A_268, %parallel_loop3A_269, %parallel_loop3A_270] {strides = array<i32>} : memref<100x4x128xf32, #tpu.memory_space<vmem>>, vector<16xf32>,
      tpu.vector_store %arg8[%parallel_loop3A_268, %parallel_loop3A_269, %parallel_loop3A_270], %parallel_loop3A_266 {strides = array<i32>} : memref<100x4x128xf32, #tpu.memory_space<vmem>>, vector<16xf32>,
      %parallel_loop3A_272 = arith.constant 1 : i32
      %parallel_loop3A_273 = vector.broadcast %parallel_loop3A_272 : i32 to vector<16xi32>
      %parallel_loop3A_274 = arith.addi %parallel_loop3A_262, %parallel_loop3A_273 : vector<16xi32>
      %parallel_loop3A_275 = tpu.vector_load_idx %arg5[%parallel_loop3A_274] : memref<28xf32, #tpu.memory_space<vmem>>[vector<16xi32>], vector<16xf32>,
      %parallel_loop3A_276 = arith.constant 1 : i32
      %parallel_loop3A_277 = arith.index_cast %parallel_loop3A_250 : i32 to index
      %parallel_loop3A_278 = arith.index_cast %parallel_loop3A_276 : i32 to index
      %parallel_loop3A_279 = arith.index_cast %parallel_loop3A_254 : i32 to index
      %parallel_loop3A_280 = tpu.vector_load %arg8[%parallel_loop3A_277, %parallel_loop3A_278, %parallel_loop3A_279] {strides = array<i32>} : memref<100x4x128xf32, #tpu.memory_space<vmem>>, vector<16xf32>,
      tpu.vector_store %arg8[%parallel_loop3A_277, %parallel_loop3A_278, %parallel_loop3A_279], %parallel_loop3A_275 {strides = array<i32>} : memref<100x4x128xf32, #tpu.memory_space<vmem>>, vector<16xf32>,
      %parallel_loop3A_281 = arith.constant 2 : i32
      %parallel_loop3A_282 = vector.broadcast %parallel_loop3A_281 : i32 to vector<16xi32>
      %parallel_loop3A_283 = arith.addi %parallel_loop3A_262, %parallel_loop3A_282 : vector<16xi32>
      %parallel_loop3A_284 = tpu.vector_load_idx %arg5[%parallel_loop3A_283] : memref<28xf32, #tpu.memory_space<vmem>>[vector<16xi32>], vector<16xf32>,
      %parallel_loop3A_285 = arith.constant 2 : i32
      %parallel_loop3A_286 = arith.index_cast %parallel_loop3A_250 : i32 to index
      %parallel_loop3A_287 = arith.index_cast %parallel_loop3A_285 : i32 to index
      %parallel_loop3A_288 = arith.index_cast %parallel_loop3A_254 : i32 to index
      %parallel_loop3A_289 = tpu.vector_load %arg8[%parallel_loop3A_286, %parallel_loop3A_287, %parallel_loop3A_288] {strides = array<i32>} : memref<100x4x128xf32, #tpu.memory_space<vmem>>, vector<16xf32>,
      tpu.vector_store %arg8[%parallel_loop3A_286, %parallel_loop3A_287, %parallel_loop3A_288], %parallel_loop3A_284 {strides = array<i32>} : memref<100x4x128xf32, #tpu.memory_space<vmem>>, vector<16xf32>,
      %parallel_loop3A_290 = arith.constant 3 : i32
      %parallel_loop3A_291 = vector.broadcast %parallel_loop3A_290 : i32 to vector<16xi32>
      %parallel_loop3A_292 = arith.addi %parallel_loop3A_262, %parallel_loop3A_291 : vector<16xi32>
      %parallel_loop3A_293 = tpu.vector_load_idx %arg5[%parallel_loop3A_292] : memref<28xf32, #tpu.memory_space<vmem>>[vector<16xi32>], vector<16xf32>,
      %parallel_loop3A_294 = arith.constant 3 : i32
      %parallel_loop3A_295 = arith.index_cast %parallel_loop3A_250 : i32 to index
      %parallel_loop3A_296 = arith.index_cast %parallel_loop3A_294 : i32 to index
      %parallel_loop3A_297 = arith.index_cast %parallel_loop3A_254 : i32 to index
      %parallel_loop3A_298 = tpu.vector_load %arg8[%parallel_loop3A_295, %parallel_loop3A_296, %parallel_loop3A_297] {strides = array<i32>} : memref<100x4x128xf32, #tpu.memory_space<vmem>>, vector<16xf32>,
      tpu.vector_store %arg8[%parallel_loop3A_295, %parallel_loop3A_296, %parallel_loop3A_297], %parallel_loop3A_293 {strides = array<i32>} : memref<100x4x128xf32, #tpu.memory_space<vmem>>, vector<16xf32>,
    } {sc.loop_unroll_factor = 4 : i64, sc.parallel_access}
    %add3A_205 = arith.constant 600 : i32
    %add3A_206 = arith.addi %mul3A_2, %add3A_205 : i32
    %dma_start3A_207 = arith.constant 0 : i32
    %dma_start3A_208 = arith.constant 0 : i32
    %dma_start3A_209 = tpu.memref_slice %arg4[%add3A_206, %dma_start3A_207, %dma_start3A_208] : memref<25600x4x128xf32, #tpu.memory_space<hbm>> -> memref<100x4x128xf32, #tpu.memory_space<hbm>>
    %dma_start3A_210 = arith.constant 0 : i32
    %dma_start3A_211 = arith.constant 0 : i32
    %dma_start3A_212 = tpu.memref_slice %arg4[%add3A_206, %dma_start3A_210, %dma_start3A_211] : memref<25600x4x128xf32, #tpu.memory_space<hbm>> -> memref<100x4x128xf32, #tpu.memory_space<hbm>>
    tpu.enqueue_dma source(%arg8 : memref<100x4x128xf32, #tpu.memory_space<vmem>>) target(%dma_start3A_212 : memref<100x4x128xf32, #tpu.memory_space<hbm>>) target_semaphore(%arg13 : memref<!tpu.dma_semaphore, #tpu.memory_space<semaphore_mem>>)
    %dma_wait3A_213 = arith.constant 0 : i32
    %dma_wait3A_214 = arith.constant 0 : i32
    %dma_wait3A_215 = tpu.memref_slice %arg2[%add3A_183, %dma_wait3A_213, %dma_wait3A_214] : memref<25600x8x128xi32, #tpu.memory_space<hbm>> -> memref<100x1x128xi32, #tpu.memory_space<hbm>>
    %dma_wait3A_216 = arith.constant 0 : i32
    %dma_wait3A_217 = arith.constant 0 : i32
    %dma_wait3A_218 = tpu.memref_slice %arg2[%add3A_183, %dma_wait3A_216, %dma_wait3A_217] : memref<25600x8x128xi32, #tpu.memory_space<hbm>> -> memref<100x1x128xi32, #tpu.memory_space<hbm>>
    tpu.wait_dma2 semaphore(%arg12 : memref<!tpu.dma_semaphore, #tpu.memory_space<semaphore_mem>>) src(%dma_wait3A_218 : memref<100x1x128xi32, #tpu.memory_space<hbm>>) dst(%arg7 : memref<100x1x128xi32, #tpu.memory_space<vmem>>)
    %dma_wait3A_219 = arith.constant 0 : i32
    %dma_wait3A_220 = arith.constant 0 : i32
    %dma_wait3A_221 = tpu.memref_slice %arg4[%add3A_175, %dma_wait3A_219, %dma_wait3A_220] : memref<25600x4x128xf32, #tpu.memory_space<hbm>> -> memref<100x4x128xf32, #tpu.memory_space<hbm>>
    %dma_wait3A_222 = arith.constant 0 : i32
    %dma_wait3A_223 = arith.constant 0 : i32
    %dma_wait3A_224 = tpu.memref_slice %arg4[%add3A_175, %dma_wait3A_222, %dma_wait3A_223] : memref<25600x4x128xf32, #tpu.memory_space<hbm>> -> memref<100x4x128xf32, #tpu.memory_space<hbm>>
    tpu.wait_dma2 semaphore(%arg14 : memref<!tpu.dma_semaphore, #tpu.memory_space<semaphore_mem>>) src(%arg9 : memref<100x4x128xf32, #tpu.memory_space<vmem>>) dst(%dma_wait3A_224 : memref<100x4x128xf32, #tpu.memory_space<hbm>>)
    %parallel_loop3A_225 = arith.constant 0 : i32
    %parallel_loop3A_226 = arith.constant 800 : i32
    %parallel_loop3A_227 = arith.constant 1 : i32
    scf.for %parallel_loop3A_248 = %parallel_loop3A_225 to %parallel_loop3A_226 step %parallel_loop3A_227  : i32 {
      %parallel_loop3A_249 = arith.constant 3 : i32
      %parallel_loop3A_250 = arith.shrui %parallel_loop3A_248, %parallel_loop3A_249 : i32
      %parallel_loop3A_251 = arith.constant 7 : i32
      %parallel_loop3A_252 = arith.andi %parallel_loop3A_248, %parallel_loop3A_251 : i32
      %parallel_loop3A_253 = arith.constant 4 : i32
      %parallel_loop3A_254 = arith.shli %parallel_loop3A_252, %parallel_loop3A_253 : i32
      %parallel_loop3A_255 = arith.constant 0 : i32
      %parallel_loop3A_256 = arith.index_cast %parallel_loop3A_250 : i32 to index
      %parallel_loop3A_257 = arith.index_cast %parallel_loop3A_255 : i32 to index
      %parallel_loop3A_258 = arith.index_cast %parallel_loop3A_254 : i32 to index
      %parallel_loop3A_259 = tpu.vector_load %arg7[%parallel_loop3A_256, %parallel_loop3A_257, %parallel_loop3A_258] {strides = array<i32>} : memref<100x1x128xi32, #tpu.memory_space<vmem>>, vector<16xi32>,
      %parallel_loop3A_260 = arith.constant 2 : i32
      %parallel_loop3A_261 = vector.broadcast %parallel_loop3A_260 : i32 to vector<16xi32>
      %parallel_loop3A_262 = arith.shli %parallel_loop3A_259, %parallel_loop3A_261 : vector<16xi32>
      %parallel_loop3A_263 = arith.constant 0 : i32
      %parallel_loop3A_264 = vector.broadcast %parallel_loop3A_263 : i32 to vector<16xi32>
      %parallel_loop3A_265 = arith.addi %parallel_loop3A_262, %parallel_loop3A_264 : vector<16xi32>
      %parallel_loop3A_266 = tpu.vector_load_idx %arg5[%parallel_loop3A_265] : memref<28xf32, #tpu.memory_space<vmem>>[vector<16xi32>], vector<16xf32>,
      %parallel_loop3A_267 = arith.constant 0 : i32
      %parallel_loop3A_268 = arith.index_cast %parallel_loop3A_250 : i32 to index
      %parallel_loop3A_269 = arith.index_cast %parallel_loop3A_267 : i32 to index
      %parallel_loop3A_270 = arith.index_cast %parallel_loop3A_254 : i32 to index
      %parallel_loop3A_271 = tpu.vector_load %arg9[%parallel_loop3A_268, %parallel_loop3A_269, %parallel_loop3A_270] {strides = array<i32>} : memref<100x4x128xf32, #tpu.memory_space<vmem>>, vector<16xf32>,
      tpu.vector_store %arg9[%parallel_loop3A_268, %parallel_loop3A_269, %parallel_loop3A_270], %parallel_loop3A_266 {strides = array<i32>} : memref<100x4x128xf32, #tpu.memory_space<vmem>>, vector<16xf32>,
      %parallel_loop3A_272 = arith.constant 1 : i32
      %parallel_loop3A_273 = vector.broadcast %parallel_loop3A_272 : i32 to vector<16xi32>
      %parallel_loop3A_274 = arith.addi %parallel_loop3A_262, %parallel_loop3A_273 : vector<16xi32>
      %parallel_loop3A_275 = tpu.vector_load_idx %arg5[%parallel_loop3A_274] : memref<28xf32, #tpu.memory_space<vmem>>[vector<16xi32>], vector<16xf32>,
      %parallel_loop3A_276 = arith.constant 1 : i32
      %parallel_loop3A_277 = arith.index_cast %parallel_loop3A_250 : i32 to index
      %parallel_loop3A_278 = arith.index_cast %parallel_loop3A_276 : i32 to index
      %parallel_loop3A_279 = arith.index_cast %parallel_loop3A_254 : i32 to index
      %parallel_loop3A_280 = tpu.vector_load %arg9[%parallel_loop3A_277, %parallel_loop3A_278, %parallel_loop3A_279] {strides = array<i32>} : memref<100x4x128xf32, #tpu.memory_space<vmem>>, vector<16xf32>,
      tpu.vector_store %arg9[%parallel_loop3A_277, %parallel_loop3A_278, %parallel_loop3A_279], %parallel_loop3A_275 {strides = array<i32>} : memref<100x4x128xf32, #tpu.memory_space<vmem>>, vector<16xf32>,
      %parallel_loop3A_281 = arith.constant 2 : i32
      %parallel_loop3A_282 = vector.broadcast %parallel_loop3A_281 : i32 to vector<16xi32>
      %parallel_loop3A_283 = arith.addi %parallel_loop3A_262, %parallel_loop3A_282 : vector<16xi32>
      %parallel_loop3A_284 = tpu.vector_load_idx %arg5[%parallel_loop3A_283] : memref<28xf32, #tpu.memory_space<vmem>>[vector<16xi32>], vector<16xf32>,
      %parallel_loop3A_285 = arith.constant 2 : i32
      %parallel_loop3A_286 = arith.index_cast %parallel_loop3A_250 : i32 to index
      %parallel_loop3A_287 = arith.index_cast %parallel_loop3A_285 : i32 to index
      %parallel_loop3A_288 = arith.index_cast %parallel_loop3A_254 : i32 to index
      %parallel_loop3A_289 = tpu.vector_load %arg9[%parallel_loop3A_286, %parallel_loop3A_287, %parallel_loop3A_288] {strides = array<i32>} : memref<100x4x128xf32, #tpu.memory_space<vmem>>, vector<16xf32>,
      tpu.vector_store %arg9[%parallel_loop3A_286, %parallel_loop3A_287, %parallel_loop3A_288], %parallel_loop3A_284 {strides = array<i32>} : memref<100x4x128xf32, #tpu.memory_space<vmem>>, vector<16xf32>,
      %parallel_loop3A_290 = arith.constant 3 : i32
      %parallel_loop3A_291 = vector.broadcast %parallel_loop3A_290 : i32 to vector<16xi32>
      %parallel_loop3A_292 = arith.addi %parallel_loop3A_262, %parallel_loop3A_291 : vector<16xi32>
      %parallel_loop3A_293 = tpu.vector_load_idx %arg5[%parallel_loop3A_292] : memref<28xf32, #tpu.memory_space<vmem>>[vector<16xi32>], vector<16xf32>,
      %parallel_loop3A_294 = arith.constant 3 : i32
      %parallel_loop3A_295 = arith.index_cast %parallel_loop3A_250 : i32 to index
      %parallel_loop3A_296 = arith.index_cast %parallel_loop3A_294 : i32 to index
      %parallel_loop3A_297 = arith.index_cast %parallel_loop3A_254 : i32 to index
      %parallel_loop3A_298 = tpu.vector_load %arg9[%parallel_loop3A_295, %parallel_loop3A_296, %parallel_loop3A_297] {strides = array<i32>} : memref<100x4x128xf32, #tpu.memory_space<vmem>>, vector<16xf32>,
      tpu.vector_store %arg9[%parallel_loop3A_295, %parallel_loop3A_296, %parallel_loop3A_297], %parallel_loop3A_293 {strides = array<i32>} : memref<100x4x128xf32, #tpu.memory_space<vmem>>, vector<16xf32>,
    } {sc.loop_unroll_factor = 4 : i64, sc.parallel_access}
    %add3A_228 = arith.constant 700 : i32
    %add3A_229 = arith.addi %mul3A_2, %add3A_228 : i32
    %dma_start3A_230 = arith.constant 0 : i32
    %dma_start3A_231 = arith.constant 0 : i32
    %dma_start3A_232 = tpu.memref_slice %arg4[%add3A_229, %dma_start3A_230, %dma_start3A_231] : memref<25600x4x128xf32, #tpu.memory_space<hbm>> -> memref<100x4x128xf32, #tpu.memory_space<hbm>>
    %dma_start3A_233 = arith.constant 0 : i32
    %dma_start3A_234 = arith.constant 0 : i32
    %dma_start3A_235 = tpu.memref_slice %arg4[%add3A_229, %dma_start3A_233, %dma_start3A_234] : memref<25600x4x128xf32, #tpu.memory_space<hbm>> -> memref<100x4x128xf32, #tpu.memory_space<hbm>>
    tpu.enqueue_dma source(%arg9 : memref<100x4x128xf32, #tpu.memory_space<vmem>>) target(%dma_start3A_235 : memref<100x4x128xf32, #tpu.memory_space<hbm>>) target_semaphore(%arg14 : memref<!tpu.dma_semaphore, #tpu.memory_space<semaphore_mem>>)
    %dma_wait3A_236 = arith.constant 0 : i32
    %dma_wait3A_237 = arith.constant 0 : i32
    %dma_wait3A_238 = tpu.memref_slice %arg4[%add3A_206, %dma_wait3A_236, %dma_wait3A_237] : memref<25600x4x128xf32, #tpu.memory_space<hbm>> -> memref<100x4x128xf32, #tpu.memory_space<hbm>>
    %dma_wait3A_239 = arith.constant 0 : i32
    %dma_wait3A_240 = arith.constant 0 : i32
    %dma_wait3A_241 = tpu.memref_slice %arg4[%add3A_206, %dma_wait3A_239, %dma_wait3A_240] : memref<25600x4x128xf32, #tpu.memory_space<hbm>> -> memref<100x4x128xf32, #tpu.memory_space<hbm>>
    tpu.wait_dma2 semaphore(%arg13 : memref<!tpu.dma_semaphore, #tpu.memory_space<semaphore_mem>>) src(%arg8 : memref<100x4x128xf32, #tpu.memory_space<vmem>>) dst(%dma_wait3A_241 : memref<100x4x128xf32, #tpu.memory_space<hbm>>)
    %dma_wait3A_242 = arith.constant 0 : i32
    %dma_wait3A_243 = arith.constant 0 : i32
    %dma_wait3A_244 = tpu.memref_slice %arg4[%add3A_229, %dma_wait3A_242, %dma_wait3A_243] : memref<25600x4x128xf32, #tpu.memory_space<hbm>> -> memref<100x4x128xf32, #tpu.memory_space<hbm>>
    %dma_wait3A_245 = arith.constant 0 : i32
    %dma_wait3A_246 = arith.constant 0 : i32
    %dma_wait3A_247 = tpu.memref_slice %arg4[%add3A_229, %dma_wait3A_245, %dma_wait3A_246] : memref<25600x4x128xf32, #tpu.memory_space<hbm>> -> memref<100x4x128xf32, #tpu.memory_space<hbm>>
    tpu.wait_dma2 semaphore(%arg14 : memref<!tpu.dma_semaphore, #tpu.memory_space<semaphore_mem>>) src(%arg9 : memref<100x4x128xf32, #tpu.memory_space<vmem>>) dst(%dma_wait3A_247 : memref<100x4x128xf32, #tpu.memory_space<hbm>>)
    return
  }
}

</mosaic_0001>

<sc_bundles>
// kernel: kernel.3.cloned.1.call-start
scs
__scs_entry_jumppad:
0x0: {  	(pc) =	sbr.rel $0x88, $3  }
0x1: {  	(tag) =	ssettag $0x0;
	lr =	simm.s32 $0x1  }
0x2: {  	[smem:$0x3F9F] =	sst lr;
	_ =	strace $0xD0000000  }
0x3: {  	_ = 	snop  }
0x4: {  	_ = 	snop  }
0x5: {  	_ = 	snop  }
0x6: {  	_ = 	snop  }
0x7: {  	_ = 	snop  }
__scs_overlays_trampoline_lowered:
0x8: {  	[smem:$0x3FAE] =	sst s0  }
0x9: {  	[smem:$0x3FAF] =	sst s1  }
0xa: {  	[smem:$0x3FB0] =	sst s2  }
0xb: {  	[smem:$0x3FB1] =	sst s3  }
0xc: {  	[smem:$0x3FB2] =	sst s4  }
0xd: {  	[smem:$0x3FB3] =	sst s5  }
0xe: {  	[smem:$0x3FB4] =	sst s6  }
0xf: {  	[smem:$0x3FB5] =	sst s7  }
0x10: {  	[smem:$0x3FB6] =	sst s8  }
0x11: {  	[smem:$0x3FB7] =	sst s9;
	s0 =	simm.s32 @!p0 $0x0  }
0x12: {  	s1 =	sld [smem:$0x3F9D];
	s0 =	simm.s32 @p0 $0x1  }
0x13: {  	[smem:$0x3FB8] =	sst s0;
	s0 =	simm.s32 @!p1 $0x0  }
0x14: {  	s2 =	sld [smem:$0x3F9C];
	s0 =	simm.s32 @p1 $0x1  }
0x15: {  	[smem:$0x3FB9] =	sst s0;
	s0 =	simm.s32 @!p2 $0x0  }
0x16: {  	s3 =	sld [smem:$0x3FDB];
	s0 =	simm.s32 @p2 $0x1  }
0x17: {  	s4 =	simm.s32 $0x1BF5;
	[smem:$0x3FBB] =	sst s0  }
0x18: {  	s0 =	sld [smem:$0x3F9E];
	_ =	swait.ge [sflag:s4], $0x0  }
0x19: {  	s7 =	sld [smem:$0x3F9F]  }
0x1a: {  	s8 =	sadd.s32 $0xFFFFE003, lr  }
0x1b: {  	s9 =	sadd.s32 $0xFFFFFEF7, lr;
	s5 =	simm.s32 $0xFFFFFFFF;
	p2 =	slt.u32 s8, $0xFFFFF086  }
0x1c: {  	p1 =	slt.u32 s9, $0xF7A;
	s5 =	simm.s32 @!p2 $0x0  }
0x1d: {  	s5 =	simm.s32 @p1 $0x1;
	p0 =	seq.s32 s7, s2  }
0x1e: {  	s7 =	smul.u32 @!p0 $0xF7A, s2;
	p2 =	seq.s32 @!p0 s5, $0x0  }
0x1f: {  	s9 =	smul.u32 $0xF7A, s1;
	s8 =	simm.s32 @!p0 $0x1BF5;
	p2 =	por !p2, p0  }
0x20: {  	[sflag:s8] =	ssyncset.s32 @!p0 $0xFFFFF086;
	s6 =	sadd.s32 @!p0 s3, s7;
	s7 =	simm.s32 @!p0 $0x108  }
0x21: {  	s3 =	sadd.s32 s3, s9;
	s6 =	sadd.s32 @!p0 $0x88, s6;
	s7 =	simm.s32 @p2 $0x1082  }
0x22: {  	[simem:s7], [sflag:s8] =	dma.local @!p0 [hbm:s6], $0xF7A  }
0x23: {  	s9 =	sor.u32 $0xD0000000, s2;
	s6 =	simm.s32 $0x108;
	_ =	swait.ge @!p0 [sflag:s8], $0x0  }
0x24: {  	s3 =	sadd.s32 $0x88, s3;
	s6 =	simm.s32 @!p1 $0x1082;
	[sflag:s4] =	ssyncset.s32 $0xFFFFF086  }
0x25: {  	[simem:s6], [sflag:s4] =	dma.local [hbm:s3], $0xF7A  }
0x26: {  	[smem:$0x3F9F] =	sst s1;
	(tag) =	ssettag s2;
	_ =	strace s9  }
0x27: {  	s1 =	sld [smem:$0x3FAF]  }
0x28: {  	s2 =	sld [smem:$0x3FB0]  }
0x29: {  	s4 =	sld [smem:$0x3FB2]  }
0x2a: {  	p0 =	seq.s32 s5, $0x0;
	s5 =	sld [smem:$0x3FB3]  }
0x2b: {  	s6 =	sld [smem:$0x3FB4]  }
0x2c: {  	s7 =	sld [smem:$0x3FB5]  }
0x2d: {  	s3 =	simm.s32 $0x108;
	s8 =	sld [smem:$0x3FB6]  }
0x2e: {  	s3 =	simm.s32 @!p0 $0x1082;
	s9 =	sld [smem:$0x3FB7]  }
0x2f: {  	lr =	sadd.s32 s0, s3;
	s0 =	sld [smem:$0x3FAE]  }
0x30: {  	s3 =	sld [smem:$0x3FB1]  }
0x31: {  	[smem:$0x3FBA] =	sst s10  }
0x32: {  	s10 =	sld [smem:$0x3FB8];
	_ =	sdelay $0x3  }
0x33: {  	p0 =	seq.s32 s10, $0x1;
	s10 =	sld [smem:$0x3FBA];
	_ =	sdelay $0x3  }
0x34: {  	[smem:$0x3FBA] =	sst s10  }
0x35: {  	s10 =	sld [smem:$0x3FB9];
	_ =	sdelay $0x3  }
0x36: {  	p1 =	seq.s32 s10, $0x1;
	s10 =	sld [smem:$0x3FBA];
	_ =	sdelay $0x3  }
0x37: {  	[smem:$0x3FBA] =	sst s10  }
0x38: {  	s10 =	sld [smem:$0x3FBB]  }
0x39: {  	_ = 	snop;
	(pc) =	sbr.ind lr, $3  }
0x3a: {  	_ = 	snop  }
0x3b: {  	_ = 	snop  }
0x3c: {  	p2 =	seq.s32 s10, $0x1;
	s10 =	sld [smem:$0x3FBA]  }
0x3d: {  	_ =	shalt  }
0x3e: {  	_ =	shalt  }
0x3f: {  	_ =	shalt  }
0x40: {  	_ =	shalt  }
0x41: {  	_ =	shalt  }
0x42: {  	_ =	shalt  }
0x43: {  	_ =	shalt  }
0x44: {  	_ =	shalt  }
0x45: {  	_ =	shalt  }
0x46: {  	_ =	shalt  }
0x47: {  	_ =	shalt  }
0x48: {  	_ =	shalt  }
0x49: {  	_ =	shalt  }
0x4a: {  	_ =	shalt  }
0x4b: {  	_ =	shalt  }
0x4c: {  	_ =	shalt  }
0x4d: {  	_ =	shalt  }
0x4e: {  	_ =	shalt  }
0x4f: {  	_ =	shalt  }
0x50: {  	_ =	shalt  }
0x51: {  	_ =	shalt  }
0x52: {  	_ =	shalt  }
0x53: {  	_ =	shalt  }
0x54: {  	_ =	shalt  }
0x55: {  	_ =	shalt  }
0x56: {  	_ =	shalt  }
0x57: {  	_ =	shalt  }
0x58: {  	_ =	shalt  }
0x59: {  	_ =	shalt  }
0x5a: {  	_ =	shalt  }
0x5b: {  	_ =	shalt  }
0x5c: {  	_ =	shalt  }
0x5d: {  	_ =	shalt  }
0x5e: {  	_ =	shalt  }
0x5f: {  	_ =	shalt  }
0x60: {  	_ =	shalt  }
0x61: {  	_ =	shalt  }
0x62: {  	_ =	shalt  }
0x63: {  	_ =	shalt  }
0x64: {  	_ =	shalt  }
0x65: {  	_ =	shalt  }
0x66: {  	_ =	shalt  }
0x67: {  	_ =	shalt  }
0x68: {  	_ =	shalt  }
0x69: {  	_ =	shalt  }
0x6a: {  	_ =	shalt  }
0x6b: {  	_ =	shalt  }
0x6c: {  	_ =	shalt  }
0x6d: {  	_ =	shalt  }
0x6e: {  	_ =	shalt  }
0x6f: {  	_ =	shalt  }
0x70: {  	_ =	shalt  }
0x71: {  	_ =	shalt  }
0x72: {  	_ =	shalt  }
0x73: {  	_ =	shalt  }
0x74: {  	_ =	shalt  }
0x75: {  	_ =	shalt  }
0x76: {  	_ =	shalt  }
0x77: {  	_ =	shalt  }
0x78: {  	_ =	shalt  }
0x79: {  	_ =	shalt  }
0x7a: {  	_ =	shalt  }
0x7b: {  	_ =	shalt  }
0x7c: {  	_ =	shalt  }
0x7d: {  	_ =	shalt  }
0x7e: {  	_ =	shalt  }
0x7f: {  	_ =	shalt  }
0x80: {  	_ =	shalt  }
0x81: {  	_ =	shalt  }
0x82: {  	_ =	shalt  }
0x83: {  	_ =	shalt  }
0x84: {  	_ =	shalt  }
0x85: {  	_ =	shalt  }
0x86: {  	_ =	shalt  }
0x87: {  	_ =	shalt  }
.Lfunc_end0:
.L_simem_size_0:
called_computation_lowered:
.L_overlay_start_0:
0x88: {  	s2 =	sld [smem:$0x3FD9]  }
0x89: {  	s3 =	sld [smem:$0x3FFE];
	_ =	sdelay $0x1  }
0x8a: {  	s1 =	srdreg.scid  }
0x8b: {  	s0 =	sand.u32 $0x1, s1  }
0x8c: {  	s17 =	sshll.u32 s0, $0xA;
	s2 =	sadd.s32 s3, s2  }
0x8d: {  	s2 =	sadd.s32 s2, s17  }
0x8e: {  	[smem:$0x3FC6] =	sst s2  }
0x8f: {  	_ = 	snop  }
0x90: {  	s2 =	sld [smem:$0x3FC9]  }
0x91: {  	s18 =	sld [smem:$0x3FD0];
	(tm) =	ssettm $0x1  }
0x92: {  	s4 =	sld [smem:$0x3FFB];
	_ =	sdelay $0x3  }
0x93: {  	_ =	strace s4  }
0x94: {  	s4 =	sld [smem:$0x3FFC];
	_ =	sdelay $0x3  }
0x95: {  	_ =	strace s4  }
0x96: {  	s4 =	sld [smem:$0x3FFD];
	_ =	sdelay $0x3  }
0x97: {  	_ =	strace s4  }
0x98: {  	_ =	strace $0x8FFFFFFF  }
0x99: {  	s19 =	sld [smem:$0x3FDB];
	_ =	sdelay $0x1  }
0x9a: {  	s5 =	simm.s32 $_scs_section_size  }
0x9b: {  	s6 =	simm.s32 $_size__tile_overlayer_lowered;
	s7 =	simm.s32 $_tile_overlayer_lowered  }
0x9c: {  	s22 =	simm.s32 $0x1BFF;
	s21 =	sshll.u32 s7, $0x1;
	s4 =	sadd.s32 s5, s19  }
0x9d: {  	s8 =	simm.s32 $0x0;
	s20 =	sshll.u32 s6, $0x1;
	s6 =	sadd.s32 s21, s4  }
0x9e: {  	[timem:s8], [sflag:s22] =	dma.local [hbm:s6], s20  }
0x9f: {  	_ =	swait.ge [sflag:s22], s20  }
0xa0: {  	s5 =	ssub.s32 $0x0, s20;
	[sflag:s22] =	ssyncset.done $0x0  }
0xa1: {  	[sflag:s22] =	ssyncadd.s32 s5;
	_ =	sdelay $0x1  }
0xa2: {  	s23 =	simm.s32 $0x1B8B  }
0xa3: {  	_ =	swait.ge [sflag:s23], $0x1  }
0xa4: {  	[sflag:s23] =	ssyncset.done $0x0  }
0xa5: {  	s25 =	simm.s32 $0x1B8E;
	s24 =	sld [smem:$0x3FFE];
	[sflag:s23] =	ssyncadd.s32 $0xFFFFFFFF  }
0xa6: {  	s26 =	simm.s32 $execute0_lowered;
	[smem:$0x3FD2] =	sst s25  }
0xa7: {  	s6 =	sshll.u32 s26, $0x1;
	_ =	strace $0x80000046;
	[dreg:$0x1] =	wrdreg $0xFFFFFFFF  }
0xa8: {  	s28 =	simm.s32 $_size_execute0_lowered;
	s4 =	sadd.s32 s4, s6;
	[dreg:$0x0] =	wrdreg $0x0  }
0xa9: {  	s6 =	sshll.u32 s28, $0x1;
	[dreg:$0x2] =	wrdreg s4  }
0xaa: {  	[dreg:$0x3] =	wrdreg s6  }
0xab: {  	[dreg:$0x4] =	wrdreg $0xC0  }
0xac: {  	_ =	task [dreg:s8], $0x5FFFF  }
0xad: {  	[dreg:$0x1] =	wrdreg $0xFFFFFFFF  }
0xae: {  	[dreg:$0x0] =	wrdreg $0x60  }
0xaf: {  	[dreg:$0x2] =	wrdreg s2  }
0xb0: {  	[dreg:$0x3] =	wrdreg s24  }
0xb1: {  	[dreg:$0x4] =	wrdreg s18  }
0xb2: {  	[dreg:$0x5] =	wrdreg $0x9  }
0xb3: {  	_ =	task.clear_ibuf [dreg:s8], $0x6FFFF;
	_ =	strace $0x90000046  }
0xb4: {  	s29 =	simm.s32 $0x9;
	_ =	strace $0x80000048  }
0xb5: {  	_ =	swait.ge [sflag:s29], $0x1  }
0xb6: {  	[sflag:s29] =	ssyncadd.s32 $0xFFFFFFFF  }
0xb7: {  	_ =	strace $0x90000048  }
0xb8: {  	_ =	sfence  }
0xb9: {  	s30 =	sld [smem:$0x0];
	_ =	sdelay $0x2  }
0xba: {  	s31 =	sshll.u32 s1, $0xD;
	s1 =	sshrl.u32 s1, $0x2  }
0xbb: {  	s3 =	sand.u32 $0x4000, s31;
	s1 =	sadd.s32 s1, s30  }
0xbc: {  	s0 =	sor.u32 s3, s0;
	s1 =	sshll.u32 s1, $0x11  }
0xbd: {  	s0 =	sor.u32 s1, s0  }
0xbe: {  	s0 =	sadd.s32 $0x8F2B, s0  }
0xbf: {  	[sflag:s0] =	ssyncadd.remote.s32 $0x1  }
0xc0: {  	_ =	sfence.sel $0xFFFF  }
0xc1: {  	[dreg:$0x0] =	wrdreg $0xFFFFFFFF;
	(pc) =	sbr.abs _section_cstart, $3  }
0xc2: {  	[dreg:$0x1] =	wrdreg $0xFFFFFFFF  }
0xc3: {  	_ =	task.clear_ibuf [dreg:s8], $0x2FFFF;
	_ =	strace $0x9FFFFFFF  }
0xc4: {  	(tm) =	ssettm $0x7FFFFFFF  }
0xc5: {  	_ =	shalt  }
tec
execute0_lowered:
.L_overlay_start_1:
0x0: {  	(tag) =	ssettag $0x1  }
0x1: {  	s0 =	rddreg [dreg:$0x0]  }
0x2: {  	s1 =	rddreg [dreg:$0x1]  }
0x3: {  	s3 =	rddreg [dreg:$0x2]  }
0x4: {  	s4 =	srdreg.scid;
	s5 =	stileid.u32  }
0x5: {  	s2 =	simm.s32 $0x0;
	s28 =	simm.s32 $0x3;
	s29 =	simm.s32 $0x12C80  }
0x6: {  	s30 =	simm.s32 $0x4;
	s4 =	sand.u32 $0x1, s4;
	s5 =	sshll.u32 s5, $0x1  }
0x7: {  	s31 =	simm.s32 $0x5;
	[smem:$0x7FF] =	sst s2;
	s5 =	sor.u32 s4, s5  }
0x8: {  	s1 =	sadd.s32 $0x400, s1;
	s4 =	ssub.s32 $0x2, s4;
	s6 =	smul.u32 $0x320, s5  }
0x9: {  	_ =	strace $0x80000047;
	s25 =	sshrl.u32 s4, $0x1;
	s7 =	smul.u32 $0x19000, s5  }
0xa: {  	[dreg:$0x4] =	wrdreg s1;
	s5 =	smul.u32 $0xC800, s5;
	s1 =	ssub.s32 s4, s25  }
0xb: {  	s26 =	sadd.s32 $0x64, s6;
	s7 =	sadd.s32 s0, s7;
	s8 =	sadd.s32 $0xC8, s6  }
0xc: {  	s5 =	sadd.s32 s3, s5;
	s11 =	sadd.s32 $0x12C, s6;
	s15 =	sadd.s32 $0x190, s6  }
0xd: {  	s17 =	sadd.s32 $0x1F4, s6;
	s19 =	sadd.s32 $0x258, s6;
	[dreg:$0x5] =	wrdreg s7  }
0xe: {  	s23 =	sadd.s32 $0x2BC, s6;
	s9 =	sshll.u32 s26, $0x7;
	[dreg:$0x7] =	wrdreg s5  }
0xf: {  	s10 =	sshll.u32 s8, $0x7;
	s4 =	sshll.u32 s26, $0x6;
	s26 =	smax.u32 s1, $0x1  }
0x10: {  	s12 =	sshll.u32 s11, $0x7;
	s7 =	sadd.s32 s0, s9;
	[dreg:$0x15] =	wrdreg s26  }
0x11: {  	s13 =	sshll.u32 s8, $0x6;
	s5 =	sadd.s32 s0, s10;
	[dreg:$0x6] =	wrdreg s7  }
0x12: {  	s16 =	sshll.u32 s15, $0x7;
	s4 =	sadd.s32 s3, s4;
	[dreg:$0x8] =	wrdreg s5  }
0x13: {  	s21 =	sshll.u32 s17, $0x6;
	s14 =	sadd.s32 s3, s13;
	[dreg:$0x9] =	wrdreg s4  }
0x14: {  	s18 =	sshll.u32 s17, $0x7;
	s22 =	sadd.s32 s3, s21;
	[dreg:$0xb] =	wrdreg s14  }
0x15: {  	s20 =	sshll.u32 s19, $0x7;
	s4 =	sadd.s32 s0, s12;
	[dreg:$0x11] =	wrdreg s22  }
0x16: {  	s5 =	sshll.u32 s11, $0x6;
	s7 =	sadd.s32 s0, s16;
	[dreg:$0xa] =	wrdreg s4  }
0x17: {  	s6 =	sshll.u32 s23, $0x7;
	[dreg:$0xc] =	wrdreg s7;
	s5 =	sadd.s32 s3, s5  }
0x18: {  	s4 =	sshll.u32 s15, $0x6;
	[dreg:$0xd] =	wrdreg s5;
	s5 =	sadd.s32 s0, s18  }
0x19: {  	s26 =	simm.s32 $0x6480;
	s4 =	sadd.s32 s3, s4;
	[dreg:$0xe] =	wrdreg s5  }
0x1a: {  	s22 =	simm.s32 $0x400;
	[dreg:$0xf] =	wrdreg s4;
	s4 =	sadd.s32 s0, s20  }
0x1b: {  	s5 =	sshll.u32 s19, $0x6;
	s0 =	sadd.s32 s0, s6;
	[dreg:$0x10] =	wrdreg s4  }
0x1c: {  	s4 =	sshll.u32 s23, $0x6;
	[dreg:$0x12] =	wrdreg s0;
	s24 =	sadd.s32 s3, s5  }
0x1d: {  	s23 =	simm.s32 $0x80;
	[dreg:$0x13] =	wrdreg s24;
	s25 =	sadd.s32 s3, s4  }
0x1e: {  	s0 =	simm.s32 $0x0;
	[dreg:$0x14] =	wrdreg s25;
	s25 =	simm.s32 $0x2  }
.LBB2_1:
0x1f: {  	s1 =	rddreg [dreg:$0x4];
	s20 =	simm.s32 $0x1  }
0x20: {  	[tilespmem:s2], [sflag:$0x1] =	stream.linear.gather [hbm4b:s1+s2], $0x80, $0x38;
	[tilespmem:$0x1F480] =	vst v63  }
0x21: {  	_ =	swait.ge [sflag:s20], $0x80  }
0x22: {  	[sflag:s20] =	ssyncset.done $0x0  }
0x23: {  	s21 =	rddreg [dreg:$0x5];
	[sflag:s20] =	ssyncadd.s32 $0xFFFFFF80  }
0x24: {  	[tilespmem:s23], [sflag:$0x2] =	stream.strided.gather [hbm4b:s21+s23], $0x3200, s22, s23, $0x38;
	[tilespmem:$0x1F480] =	vst v63  }
0x25: {  	s3 =	simm.s32 $0x3280;
	s24 =	rddreg [dreg:$0x6]  }
0x26: {  	[tilespmem:s3], [sflag:$0x3] =	stream.strided.gather [hbm4b:s24+s23], $0x3200, s22, s23, $0x38;
	[tilespmem:$0x1F480] =	vst v63  }
0x27: {  	s3 =	sand.u32 $0xFE00, s2  }
0x28: {  	s7 =	sand.u32 $0x40, s2;
	_ =	swait.ge [sflag:s25], $0x3200;
	s4 =	sshrl.u32 s3, $0x2  }
0x29: {  	s6 =	sor.u32 $0x30, s7;
	[sflag:s25] =	ssyncset.done $0x0;
	s4 =	sadd.s32 $0x80, s4  }
0x2a: {  	[sflag:s25] =	ssyncadd.s32 $0xFFFFCE00;
	s5 =	sor.u32 s6, s4  }
0x2b: {  	v0 =	vld [tilespmem:s5+$0x0]  }
0x2c: {  	s15 =	sor.u32 s7, s4  }
0x2d: {  	v1 =	vld [tilespmem:s15+$0x0]  }
0x2e: {  	s9 =	sor.u32 $0x10, s7  }
0x2f: {  	s12 =	sor.u32 $0x20, s7;
	s16 =	sor.u32 s9, s4  }
0x30: {  	s4 =	sor.u32 s12, s4;
	v2 =	vld [tilespmem:s16+$0x0];
	v4 =	vshll.u32 v0, $0x2  }
0x31: {  	v3 =	vld [tilespmem:s4+$0x0]  }
0x32: {  	v1 =	vshll.u32 v1, $0x2  }
0x33: {  	s17 =	simm.s32 $0x100  }
0x34: {  	s11 =	sand.u32 $0xFE00, s17  }
0x35: {  	s18 =	sshrl.u32 s11, $0x2;
	s5 =	simm.s32 $0x40;
	v2 =	vshll.u32 v2, $0x2;
	v0 =	vld.idx.msk [tilespmem:v4+s2+$0x0], $0xffff  }
0x36: {  	s19 =	sadd.s32 $0x80, s18;
	s13 =	sadd.s32 $0x6480, s3;
	s10 =	sand.u32 $0x40, s5;
	v5 =	vshll.u32 v3, $0x2;
	v3 =	vor.u32 $0x1, v4  }
0x37: {  	s1 =	sor.u32 s7, s13;
	s7 =	sor.u32 $0x10, s10;
	s21 =	sor.u32 s10, s19;
	v6 =	vld.idx.msk [tilespmem:v1+s2+$0x0], $0xffff  }
0x38: {  	s15 =	sor.u32 s7, s19;
	v11 =	vld [tilespmem:s21+$0x0]  }
0x39: {  	s8 =	sor.u32 s6, s13;
	v13 =	vld [tilespmem:s15+$0x0];
	v7 =	vor.u32 $0x1, v1  }
0x3a: {  	s14 =	sor.u32 $0x30, s10;
	v8 =	vld.idx.msk [tilespmem:v2+s2+$0x0], $0xffff;
	[tilespmem:s8+$0x0] =	vst v0  }
0x3b: {  	s20 =	sor.u32 s14, s19;
	v10 =	vor.u32 $0x1, v2;
	v0 =	vld.idx.msk [tilespmem:v3+s2+$0x0], $0xffff  }
0x3c: {  	[tilespmem:s1+$0x0] =	vst v6;
	v6 =	vld [tilespmem:s20+$0x0];
	v3 =	vor.u32 $0x2, v4  }
0x3d: {  	s6 =	sor.u32 $0x20, s10;
	v9 =	vld.idx.msk [tilespmem:v5+s2+$0x0], $0xffff  }
0x3e: {  	s3 =	sor.u32 s9, s13;
	s24 =	sor.u32 s6, s19;
	v12 =	vor.u32 $0x1, v5;
	v7 =	vld.idx.msk [tilespmem:v7+s2+$0x0], $0xffff  }
0x3f: {  	v15 =	vld [tilespmem:s24+$0x0];
	v14 =	vor.u32 $0x2, v1;
	[tilespmem:s3+$0x0] =	vst v8  }
0x40: {  	v20 =	vshll.u32 v13, $0x2;
	v8 =	vld.idx.msk [tilespmem:v10+s2+$0x0], $0xffff;
	[tilespmem:s8+$0x80] =	vst v0  }
0x41: {  	s4 =	sor.u32 s12, s13;
	v0 =	vshll.u32 v6, $0x2;
	v3 =	vld.idx.msk [tilespmem:v3+s2+$0x0], $0xffff  }
0x42: {  	[tilespmem:s4+$0x0] =	vst v9;
	v4 =	vor.u32 $0x3, v4  }
0x43: {  	v10 =	vshll.u32 v11, $0x2;
	v16 =	vld.idx.msk [tilespmem:v12+s2+$0x0], $0xffff;
	[tilespmem:s1+$0x80] =	vst v7  }
0x44: {  	v22 =	vshll.u32 v15, $0x2;
	v21 =	vld.idx.msk [tilespmem:v14+s2+$0x0], $0xffff  }
0x45: {  	v23 =	vor.u32 $0x2, v2;
	v9 =	vor.u32 $0x1, v20;
	v7 =	vor.u32 $0x2, v5;
	[tilespmem:s3+$0x80] =	vst v8;
	v14 =	vld.idx.msk [tilespmem:v20+s2+$0x0], $0xffff  }
0x46: {  	v8 =	vor.u32 $0x3, v20;
	v19 =	vld.idx.msk [tilespmem:v0+s2+$0x0], $0xffff;
	[tilespmem:s8+$0x100] =	vst v3;
	v3 =	vor.u32 $0x3, v1;
	v1 =	vor.u32 $0x3, v2  }
0x47: {  	v2 =	vor.u32 $0x3, v5;
	v5 =	vor.u32 $0x2, v20;
	v20 =	vor.u32 $0x1, v0;
	v15 =	vld.idx.msk [tilespmem:v4+s2+$0x0], $0xffff  }
0x48: {  	v18 =	vld.idx.msk [tilespmem:v10+s2+$0x0], $0xffff  }
0x49: {  	s17 =	sadd.s32 $0x6480, s11;
	s11 =	simm.s32 $0x200;
	v13 =	vor.u32 $0x2, v22;
	v17 =	vld.idx.msk [tilespmem:v22+s2+$0x0], $0xffff;
	v12 =	vor.u32 $0x1, v10;
	v11 =	vor.u32 $0x3, v10;
	[tilespmem:s4+$0x80] =	vst v16  }
0x4a: {  	s9 =	simm.s32 $0x4;
	s10 =	sor.u32 s10, s17;
	s13 =	sor.u32 s14, s17;
	v6 =	vor.u32 $0x2, v10;
	v10 =	vor.u32 $0x1, v22;
	v16 =	vld.idx.msk [tilespmem:v23+s2+$0x0], $0xffff;
	[tilespmem:s1+$0x100] =	vst v21;
	v4 =	vor.u32 $0x3, v22  }
.LBB2_2:
0x4b: {  	s12 =	sand.u32 $0xFE00, s11;
	s9 =	sadd.s32 $0x4, s9;
	[tilespmem:s13+$0x0] =	vst v19;
	s5 =	sadd.s32 $0x40, s5;
	v19 =	vld.idx.msk [tilespmem:v7+s2+$0x0], $0xffff;
	v7 =	vmov v13  }
0x4c: {  	s14 =	sand.u32 $0x40, s5;
	s15 =	sshrl.u32 s12, $0x2;
	p0 =	slt.u32 s9, $0x31C;
	v13 =	vld.idx.msk [tilespmem:v20+s2+$0x0], $0xffff;
	[tilespmem:s8+$0x180] =	vst v15  }
0x4d: {  	s8 =	sadd.s32 $0x80, s15;
	s18 =	sor.u32 $0x10, s14;
	s15 =	sor.u32 $0x30, s14;
	[tilespmem:s10+$0x0] =	vst v18;
	v15 =	vld.idx.msk [tilespmem:v3+s2+$0x0], $0xffff;
	v3 =	vmov v11  }
0x4e: {  	s20 =	sor.u32 $0x20, s14;
	s19 =	sor.u32 s14, s8;
	s16 =	sor.u32 s15, s8;
	v11 =	vld.idx.msk [tilespmem:v12+s2+$0x0], $0xffff;
	v12 =	vor.u32 $0x2, v0  }
0x4f: {  	s21 =	sor.u32 s18, s8;
	s24 =	sor.u32 s20, s8;
	v18 =	vld [tilespmem:s16+$0x0];
	s16 =	sor.u32 s7, s17  }
0x50: {  	s8 =	sor.u32 s6, s17;
	s6 =	smov.u32 s20;
	s7 =	smov.u32 s18;
	v20 =	vld [tilespmem:s19+$0x0];
	[tilespmem:s16+$0x0] =	vst v14  }
0x51: {  	s18 =	smov.u32 s4;
	s4 =	smov.u32 s8;
	v14 =	vld [tilespmem:s21+$0x0];
	[tilespmem:s8+$0x0] =	vst v17;
	s8 =	smov.u32 s13  }
0x52: {  	v17 =	vld [tilespmem:s24+$0x0];
	[tilespmem:s8+$0x80] =	vst v13  }
0x53: {  	v21 =	vld.idx.msk [tilespmem:v12+s2+$0x0], $0xffff;
	[tilespmem:s3+$0x100] =	vst v16  }
0x54: {  	v16 =	vshll.u32 v18, $0x2;
	[tilespmem:s10+$0x80] =	vst v11;
	v18 =	vld.idx.msk [tilespmem:v9+s2+$0x0], $0xffff  }
0x55: {  	v23 =	vor.u32 $0x3, v0;
	v20 =	vshll.u32 v20, $0x2;
	v22 =	vld.idx.msk [tilespmem:v10+s2+$0x0], $0xffff;
	[tilespmem:s18+$0x100] =	vst v19;
	v0 =	vmov v16  }
0x56: {  	v12 =	vor.u32 $0x1, v20;
	v14 =	vshll.u32 v14, $0x2;
	v24 =	vld.idx.msk [tilespmem:v6+s2+$0x0], $0xffff;
	v6 =	vor.u32 $0x2, v20;
	[tilespmem:s1+$0x180] =	vst v15;
	s1 =	smov.u32 s10  }
0x57: {  	v9 =	vor.u32 $0x1, v14;
	v25 =	vor.u32 $0x2, v14;
	v17 =	vshll.u32 v17, $0x2;
	v26 =	vld.idx.msk [tilespmem:v1+s2+$0x0], $0xffff;
	v1 =	vmovc v8  }
0x58: {  	v11 =	vor.u32 $0x3, v20;
	v10 =	vor.u32 $0x1, v17;
	v13 =	vor.u32 $0x2, v17;
	v27 =	vld.idx.msk [tilespmem:v2+s2+$0x0], $0xffff;
	v2 =	vmovc v4  }
0x59: {  	v8 =	vor.u32 $0x3, v14;
	v4 =	vor.u32 $0x3, v17;
	v19 =	vld.idx.msk [tilespmem:v16+s2+$0x0], $0xffff;
	[tilespmem:s8+$0x100] =	vst v21  }
.Ltmp0:
0x5a: {  	[tilespmem:s16+$0x80] =	vst v18;
	v15 =	vld.idx.msk [tilespmem:v23+s2+$0x0], $0xffff;
	(pc) =	sbr.rel @p0 .LBB2_2-.Ltmp0, $4  }
0x5b: {  	v18 =	vld.idx.msk [tilespmem:v20+s2+$0x0], $0xffff;
	v20 =	vor.u32 $0x1, v0;
	[tilespmem:s4+$0x80] =	vst v22  }
0x5c: {  	v14 =	vld.idx.msk [tilespmem:v14+s2+$0x0], $0xffff;
	[tilespmem:s1+$0x100] =	vst v24  }
0x5d: {  	s17 =	sadd.s32 $0x6480, s12;
	v17 =	vld.idx.msk [tilespmem:v17+s2+$0x0], $0xffff;
	[tilespmem:s3+$0x180] =	vst v26;
	s3 =	smov.u32 s16  }
0x5e: {  	s11 =	sadd.s32 $0x100, s11;
	s13 =	sor.u32 s15, s17;
	s10 =	sor.u32 s14, s17;
	v16 =	vld.idx.msk [tilespmem:v5+s2+$0x0], $0xffff;
	[tilespmem:s18+$0x180] =	vst v27;
	v5 =	vmov v25  }
0x5f: {  	_ =	sdelay $0x2  }
0x60: {  	[tilespmem:s13+$0x0] =	vst v19  }
0x61: {  	s5 =	sor.u32 s7, s17;
	v19 =	vld.idx.msk [tilespmem:v20+s2+$0x0], $0xffff;
	[tilespmem:s10+$0x0] =	vst v18  }
0x62: {  	s6 =	sor.u32 s6, s17;
	v18 =	vor.u32 $0x2, v0;
	v12 =	vld.idx.msk [tilespmem:v12+s2+$0x0], $0xffff;
	[tilespmem:s5+$0x0] =	vst v14  }
0x63: {  	[tilespmem:s6+$0x0] =	vst v17;
	v9 =	vld.idx.msk [tilespmem:v9+s2+$0x0], $0xffff  }
0x64: {  	[tilespmem:s8+$0x180] =	vst v15;
	v10 =	vld.idx.msk [tilespmem:v10+s2+$0x0], $0xffff  }
0x65: {  	v7 =	vld.idx.msk [tilespmem:v7+s2+$0x0], $0xffff;
	[tilespmem:s3+$0x100] =	vst v16  }
0x66: {  	v3 =	vld.idx.msk [tilespmem:v3+s2+$0x0], $0xffff;
	[tilespmem:s13+$0x80] =	vst v19  }
0x67: {  	v14 =	vld.idx.msk [tilespmem:v18+s2+$0x0], $0xffff;
	[tilespmem:s10+$0x80] =	vst v12  }
0x68: {  	v0 =	vor.u32 $0x3, v0;
	v6 =	vld.idx.msk [tilespmem:v6+s2+$0x0], $0xffff;
	[tilespmem:s5+$0x80] =	vst v9  }
0x69: {  	[tilespmem:s6+$0x80] =	vst v10;
	v5 =	vld.idx.msk [tilespmem:v5+s2+$0x0], $0xffff  }
0x6a: {  	[tilespmem:s4+$0x100] =	vst v7;
	v7 =	vld.idx.msk [tilespmem:v13+s2+$0x0], $0xffff  }
0x6b: {  	[tilespmem:s1+$0x180] =	vst v3;
	v1 =	vld.idx.msk [tilespmem:v1+s2+$0x0], $0xffff  }
0x6c: {  	v2 =	vld.idx.msk [tilespmem:v2+s2+$0x0], $0xffff;
	[tilespmem:s13+$0x100] =	vst v14  }
0x6d: {  	v0 =	vld.idx.msk [tilespmem:v0+s2+$0x0], $0xffff;
	[tilespmem:s10+$0x100] =	vst v6  }
0x6e: {  	v3 =	vld.idx.msk [tilespmem:v11+s2+$0x0], $0xffff;
	[tilespmem:s5+$0x100] =	vst v5  }
0x6f: {  	[tilespmem:s6+$0x100] =	vst v7;
	v5 =	vld.idx.msk [tilespmem:v8+s2+$0x0], $0xffff  }
0x70: {  	[tilespmem:s3+$0x180] =	vst v1;
	v1 =	vld.idx.msk [tilespmem:v4+s2+$0x0], $0xffff  }
0x71: {  	[tilespmem:s4+$0x180] =	vst v2  }
0x72: {  	[tilespmem:s13+$0x180] =	vst v0  }
0x73: {  	[tilespmem:s10+$0x180] =	vst v3  }
0x74: {  	[tilespmem:s5+$0x180] =	vst v5  }
0x75: {  	[tilespmem:s6+$0x180] =	vst v1  }
0x76: {  	s9 =	simm.s32 $0x0;
	s3 =	rddreg [dreg:$0x7]  }
0x77: {  	[hbm4b:s3+s9] =	stream.linear.scatter [tilespmem:s26], [sflag:$0x4], $0xC800, $0x38;
	[tilespmem:$0x1F480] =	vst v63  }
0x78: {  	s11 =	sand.u32 $0xFE00, s9;
	s10 =	rddreg [dreg:$0x8]  }
0x79: {  	[tilespmem:s23], [sflag:$0x2] =	stream.strided.gather [hbm4b:s10+s23], $0x3200, s22, s23, $0x38;
	[tilespmem:$0x1F480] =	vst v63  }
0x7a: {  	s12 =	sshrl.u32 s11, $0x2;
	s1 =	sand.u32 $0x40, s9;
	_ =	swait.ge [sflag:s28], $0x3200  }
0x7b: {  	s4 =	sadd.s32 $0x3280, s12;
	s13 =	sor.u32 $0x30, s1;
	[sflag:s28] =	ssyncset.done $0x0  }
0x7c: {  	s14 =	sor.u32 s13, s4;
	[sflag:s28] =	ssyncadd.s32 $0xFFFFCE00  }
0x7d: {  	v0 =	vld [tilespmem:s14+$0x0]  }
0x7e: {  	s15 =	sor.u32 s1, s4  }
0x7f: {  	v1 =	vld [tilespmem:s15+$0x0]  }
0x80: {  	s9 =	sor.u32 $0x10, s1  }
0x81: {  	s12 =	sor.u32 $0x20, s1;
	s16 =	sor.u32 s9, s4  }
0x82: {  	s4 =	sor.u32 s12, s4;
	v2 =	vld [tilespmem:s16+$0x0];
	v4 =	vshll.u32 v0, $0x2  }
0x83: {  	s17 =	simm.s32 $0x100;
	v3 =	vld [tilespmem:s4+$0x0]  }
0x84: {  	s18 =	sadd.s32 $0x12C80, s11;
	s11 =	sand.u32 $0xFE00, s17;
	v1 =	vshll.u32 v1, $0x2  }
0x85: {  	s20 =	sshrl.u32 s11, $0x2;
	s5 =	simm.s32 $0x40  }
0x86: {  	s19 =	sand.u32 $0x40, s5;
	s3 =	sadd.s32 $0x3280, s20  }
0x87: {  	s24 =	sor.u32 s19, s3;
	v2 =	vshll.u32 v2, $0x2;
	v0 =	vld.idx.msk [tilespmem:v4+s2+$0x0], $0xffff  }
0x88: {  	s7 =	sor.u32 $0x10, s19;
	v11 =	vld [tilespmem:s24+$0x0];
	v5 =	vshll.u32 v3, $0x2;
	v3 =	vor.u32 $0x1, v4  }
0x89: {  	s6 =	sor.u32 $0x20, s19;
	s14 =	sor.u32 $0x30, s19;
	s15 =	sor.u32 s7, s3;
	v6 =	vld.idx.msk [tilespmem:v1+s2+$0x0], $0xffff  }
0x8a: {  	s21 =	sor.u32 s14, s3;
	s3 =	sor.u32 s6, s3;
	v13 =	vld [tilespmem:s15+$0x0]  }
0x8b: {  	s8 =	sor.u32 s13, s18;
	v15 =	vld [tilespmem:s3+$0x0];
	v7 =	vor.u32 $0x1, v1  }
0x8c: {  	v8 =	vld.idx.msk [tilespmem:v2+s2+$0x0], $0xffff;
	[tilespmem:s8+$0x0] =	vst v0  }
0x8d: {  	s1 =	sor.u32 s1, s18;
	v10 =	vor.u32 $0x1, v2;
	v0 =	vld.idx.msk [tilespmem:v3+s2+$0x0], $0xffff  }
0x8e: {  	[tilespmem:s1+$0x0] =	vst v6;
	v6 =	vld [tilespmem:s21+$0x0];
	v3 =	vor.u32 $0x2, v4  }
0x8f: {  	v9 =	vld.idx.msk [tilespmem:v5+s2+$0x0], $0xffff  }
0x90: {  	s3 =	sor.u32 s9, s18;
	v12 =	vor.u32 $0x1, v5;
	v7 =	vld.idx.msk [tilespmem:v7+s2+$0x0], $0xffff  }
0x91: {  	v14 =	vor.u32 $0x2, v1;
	[tilespmem:s3+$0x0] =	vst v8  }
0x92: {  	v20 =	vshll.u32 v13, $0x2;
	v8 =	vld.idx.msk [tilespmem:v10+s2+$0x0], $0xffff;
	[tilespmem:s8+$0x80] =	vst v0  }
0x93: {  	s4 =	sor.u32 s12, s18;
	v0 =	vshll.u32 v6, $0x2;
	v3 =	vld.idx.msk [tilespmem:v3+s2+$0x0], $0xffff  }
0x94: {  	[tilespmem:s4+$0x0] =	vst v9;
	v4 =	vor.u32 $0x3, v4  }
0x95: {  	v10 =	vshll.u32 v11, $0x2;
	v16 =	vld.idx.msk [tilespmem:v12+s2+$0x0], $0xffff;
	[tilespmem:s1+$0x80] =	vst v7  }
0x96: {  	v22 =	vshll.u32 v15, $0x2;
	v21 =	vld.idx.msk [tilespmem:v14+s2+$0x0], $0xffff  }
0x97: {  	v23 =	vor.u32 $0x2, v2;
	v9 =	vor.u32 $0x1, v20;
	v7 =	vor.u32 $0x2, v5;
	[tilespmem:s3+$0x80] =	vst v8;
	v14 =	vld.idx.msk [tilespmem:v20+s2+$0x0], $0xffff  }
0x98: {  	v8 =	vor.u32 $0x3, v20;
	v19 =	vld.idx.msk [tilespmem:v0+s2+$0x0], $0xffff;
	[tilespmem:s8+$0x100] =	vst v3;
	v3 =	vor.u32 $0x3, v1;
	v1 =	vor.u32 $0x3, v2  }
0x99: {  	v2 =	vor.u32 $0x3, v5;
	v5 =	vor.u32 $0x2, v20;
	v20 =	vor.u32 $0x1, v0;
	v15 =	vld.idx.msk [tilespmem:v4+s2+$0x0], $0xffff  }
0x9a: {  	v18 =	vld.idx.msk [tilespmem:v10+s2+$0x0], $0xffff  }
0x9b: {  	s17 =	sadd.s32 $0x12C80, s11;
	s11 =	simm.s32 $0x200;
	v13 =	vor.u32 $0x2, v22;
	v17 =	vld.idx.msk [tilespmem:v22+s2+$0x0], $0xffff;
	v12 =	vor.u32 $0x1, v10;
	v11 =	vor.u32 $0x3, v10;
	[tilespmem:s4+$0x80] =	vst v16  }
0x9c: {  	s10 =	sor.u32 s19, s17;
	s13 =	sor.u32 s14, s17;
	s9 =	simm.s32 $0x4;
	v6 =	vor.u32 $0x2, v10;
	v10 =	vor.u32 $0x1, v22;
	v16 =	vld.idx.msk [tilespmem:v23+s2+$0x0], $0xffff;
	[tilespmem:s1+$0x100] =	vst v21;
	v4 =	vor.u32 $0x3, v22  }
.LBB2_4:
0x9d: {  	s12 =	sand.u32 $0xFE00, s11;
	s9 =	sadd.s32 $0x4, s9;
	[tilespmem:s13+$0x0] =	vst v19;
	s5 =	sadd.s32 $0x40, s5;
	v19 =	vld.idx.msk [tilespmem:v7+s2+$0x0], $0xffff;
	v7 =	vmov v13  }
0x9e: {  	s14 =	sand.u32 $0x40, s5;
	s15 =	sshrl.u32 s12, $0x2;
	p0 =	slt.u32 s9, $0x31C;
	v13 =	vld.idx.msk [tilespmem:v20+s2+$0x0], $0xffff;
	[tilespmem:s8+$0x180] =	vst v15  }
0x9f: {  	s8 =	sadd.s32 $0x3280, s15;
	s18 =	sor.u32 $0x10, s14;
	s15 =	sor.u32 $0x30, s14;
	[tilespmem:s10+$0x0] =	vst v18;
	v15 =	vld.idx.msk [tilespmem:v3+s2+$0x0], $0xffff;
	v3 =	vmov v11  }
0xa0: {  	s20 =	sor.u32 $0x20, s14;
	s19 =	sor.u32 s14, s8;
	s16 =	sor.u32 s15, s8;
	v11 =	vld.idx.msk [tilespmem:v12+s2+$0x0], $0xffff;
	v12 =	vor.u32 $0x2, v0  }
0xa1: {  	s21 =	sor.u32 s18, s8;
	s24 =	sor.u32 s20, s8;
	v18 =	vld [tilespmem:s16+$0x0];
	s16 =	sor.u32 s7, s17  }
0xa2: {  	s8 =	sor.u32 s6, s17;
	s6 =	smov.u32 s20;
	s7 =	smov.u32 s18;
	v20 =	vld [tilespmem:s19+$0x0];
	[tilespmem:s16+$0x0] =	vst v14  }
0xa3: {  	s18 =	smov.u32 s4;
	s4 =	smov.u32 s8;
	v14 =	vld [tilespmem:s21+$0x0];
	[tilespmem:s8+$0x0] =	vst v17;
	s8 =	smov.u32 s13  }
0xa4: {  	v17 =	vld [tilespmem:s24+$0x0];
	[tilespmem:s8+$0x80] =	vst v13  }
0xa5: {  	v21 =	vld.idx.msk [tilespmem:v12+s2+$0x0], $0xffff;
	[tilespmem:s3+$0x100] =	vst v16  }
0xa6: {  	v16 =	vshll.u32 v18, $0x2;
	[tilespmem:s10+$0x80] =	vst v11;
	v18 =	vld.idx.msk [tilespmem:v9+s2+$0x0], $0xffff  }
0xa7: {  	v23 =	vor.u32 $0x3, v0;
	v20 =	vshll.u32 v20, $0x2;
	v22 =	vld.idx.msk [tilespmem:v10+s2+$0x0], $0xffff;
	[tilespmem:s18+$0x100] =	vst v19;
	v0 =	vmov v16  }
0xa8: {  	v12 =	vor.u32 $0x1, v20;
	v14 =	vshll.u32 v14, $0x2;
	v24 =	vld.idx.msk [tilespmem:v6+s2+$0x0], $0xffff;
	v6 =	vor.u32 $0x2, v20;
	[tilespmem:s1+$0x180] =	vst v15;
	s1 =	smov.u32 s10  }
0xa9: {  	v9 =	vor.u32 $0x1, v14;
	v25 =	vor.u32 $0x2, v14;
	v17 =	vshll.u32 v17, $0x2;
	v26 =	vld.idx.msk [tilespmem:v1+s2+$0x0], $0xffff;
	v1 =	vmovc v8  }
0xaa: {  	v11 =	vor.u32 $0x3, v20;
	v10 =	vor.u32 $0x1, v17;
	v13 =	vor.u32 $0x2, v17;
	v27 =	vld.idx.msk [tilespmem:v2+s2+$0x0], $0xffff;
	v2 =	vmovc v4  }
0xab: {  	v8 =	vor.u32 $0x3, v14;
	v4 =	vor.u32 $0x3, v17;
	v19 =	vld.idx.msk [tilespmem:v16+s2+$0x0], $0xffff;
	[tilespmem:s8+$0x100] =	vst v21  }
.Ltmp1:
0xac: {  	[tilespmem:s16+$0x80] =	vst v18;
	v15 =	vld.idx.msk [tilespmem:v23+s2+$0x0], $0xffff;
	(pc) =	sbr.rel @p0 .LBB2_4-.Ltmp1, $4  }
0xad: {  	v18 =	vld.idx.msk [tilespmem:v20+s2+$0x0], $0xffff;
	v20 =	vor.u32 $0x1, v0;
	[tilespmem:s4+$0x80] =	vst v22  }
0xae: {  	v14 =	vld.idx.msk [tilespmem:v14+s2+$0x0], $0xffff;
	[tilespmem:s1+$0x100] =	vst v24  }
0xaf: {  	s17 =	sadd.s32 $0x12C80, s12;
	v17 =	vld.idx.msk [tilespmem:v17+s2+$0x0], $0xffff;
	[tilespmem:s3+$0x180] =	vst v26;
	s3 =	smov.u32 s16  }
0xb0: {  	s11 =	sadd.s32 $0x100, s11;
	s13 =	sor.u32 s15, s17;
	s10 =	sor.u32 s14, s17;
	v16 =	vld.idx.msk [tilespmem:v5+s2+$0x0], $0xffff;
	[tilespmem:s18+$0x180] =	vst v27;
	v5 =	vmov v25  }
0xb1: {  	_ =	sdelay $0x2  }
0xb2: {  	[tilespmem:s13+$0x0] =	vst v19  }
0xb3: {  	s5 =	sor.u32 s7, s17;
	v19 =	vld.idx.msk [tilespmem:v20+s2+$0x0], $0xffff;
	[tilespmem:s10+$0x0] =	vst v18  }
0xb4: {  	s6 =	sor.u32 s6, s17;
	v18 =	vor.u32 $0x2, v0;
	v12 =	vld.idx.msk [tilespmem:v12+s2+$0x0], $0xffff;
	[tilespmem:s5+$0x0] =	vst v14  }
0xb5: {  	[tilespmem:s6+$0x0] =	vst v17;
	v9 =	vld.idx.msk [tilespmem:v9+s2+$0x0], $0xffff  }
0xb6: {  	[tilespmem:s8+$0x180] =	vst v15;
	v10 =	vld.idx.msk [tilespmem:v10+s2+$0x0], $0xffff  }
0xb7: {  	v7 =	vld.idx.msk [tilespmem:v7+s2+$0x0], $0xffff;
	[tilespmem:s3+$0x100] =	vst v16  }
0xb8: {  	v3 =	vld.idx.msk [tilespmem:v3+s2+$0x0], $0xffff;
	[tilespmem:s13+$0x80] =	vst v19  }
0xb9: {  	v14 =	vld.idx.msk [tilespmem:v18+s2+$0x0], $0xffff;
	[tilespmem:s10+$0x80] =	vst v12  }
0xba: {  	v0 =	vor.u32 $0x3, v0;
	v6 =	vld.idx.msk [tilespmem:v6+s2+$0x0], $0xffff;
	[tilespmem:s5+$0x80] =	vst v9  }
0xbb: {  	[tilespmem:s6+$0x80] =	vst v10;
	v5 =	vld.idx.msk [tilespmem:v5+s2+$0x0], $0xffff  }
0xbc: {  	[tilespmem:s4+$0x100] =	vst v7;
	v7 =	vld.idx.msk [tilespmem:v13+s2+$0x0], $0xffff  }
0xbd: {  	[tilespmem:s1+$0x180] =	vst v3;
	v1 =	vld.idx.msk [tilespmem:v1+s2+$0x0], $0xffff  }
0xbe: {  	v2 =	vld.idx.msk [tilespmem:v2+s2+$0x0], $0xffff;
	[tilespmem:s13+$0x100] =	vst v14  }
0xbf: {  	v0 =	vld.idx.msk [tilespmem:v0+s2+$0x0], $0xffff;
	[tilespmem:s10+$0x100] =	vst v6  }
0xc0: {  	v3 =	vld.idx.msk [tilespmem:v11+s2+$0x0], $0xffff;
	[tilespmem:s5+$0x100] =	vst v5  }
0xc1: {  	[tilespmem:s6+$0x100] =	vst v7;
	v5 =	vld.idx.msk [tilespmem:v8+s2+$0x0], $0xffff  }
0xc2: {  	[tilespmem:s3+$0x180] =	vst v1;
	v1 =	vld.idx.msk [tilespmem:v4+s2+$0x0], $0xffff  }
0xc3: {  	[tilespmem:s4+$0x180] =	vst v2  }
0xc4: {  	[tilespmem:s13+$0x180] =	vst v0  }
0xc5: {  	[tilespmem:s10+$0x180] =	vst v3  }
0xc6: {  	[tilespmem:s5+$0x180] =	vst v5  }
0xc7: {  	[tilespmem:s6+$0x180] =	vst v1  }
0xc8: {  	s8 =	simm.s32 $0x0;
	s3 =	rddreg [dreg:$0x9]  }
0xc9: {  	[hbm4b:s3+s8] =	stream.linear.scatter [tilespmem:s29], [sflag:$0x5], $0xC800, $0x38;
	[tilespmem:$0x1F480] =	vst v63  }
0xca: {  	s10 =	simm.s32 $0x3280;
	s9 =	rddreg [dreg:$0xa]  }
0xcb: {  	[tilespmem:s10], [sflag:$0x3] =	stream.strided.gather [hbm4b:s9+s23], $0x3200, s22, s23, $0x38;
	[tilespmem:$0x1F480] =	vst v63  }
0xcc: {  	_ =	swait.ge [sflag:s25], $0x3200  }
0xcd: {  	[sflag:s25] =	ssyncset.done $0x0  }
0xce: {  	s11 =	sand.u32 $0xFE00, s8;
	[sflag:s25] =	ssyncadd.s32 $0xFFFFCE00  }
0xcf: {  	s12 =	sshrl.u32 s11, $0x2;
	s1 =	sand.u32 $0x40, s8;
	_ =	swait.ge [sflag:s30], $0xC800  }
0xd0: {  	s4 =	sadd.s32 $0x80, s12;
	s13 =	sor.u32 $0x30, s1;
	[sflag:s30] =	ssyncset.done $0x0  }
0xd1: {  	s14 =	sor.u32 s13, s4;
	[sflag:s30] =	ssyncadd.s32 $0xFFFF3800  }
0xd2: {  	v0 =	vld [tilespmem:s14+$0x0]  }
0xd3: {  	s15 =	sor.u32 s1, s4  }
0xd4: {  	v1 =	vld [tilespmem:s15+$0x0]  }
0xd5: {  	s9 =	sor.u32 $0x10, s1  }
0xd6: {  	s12 =	sor.u32 $0x20, s1;
	s16 =	sor.u32 s9, s4  }
0xd7: {  	s4 =	sor.u32 s12, s4;
	v2 =	vld [tilespmem:s16+$0x0];
	v4 =	vshll.u32 v0, $0x2  }
0xd8: {  	s17 =	simm.s32 $0x100;
	v3 =	vld [tilespmem:s4+$0x0]  }
0xd9: {  	s18 =	sadd.s32 $0x6480, s11;
	s11 =	sand.u32 $0xFE00, s17;
	v1 =	vshll.u32 v1, $0x2  }
0xda: {  	s20 =	sshrl.u32 s11, $0x2;
	s5 =	simm.s32 $0x40  }
0xdb: {  	s19 =	sand.u32 $0x40, s5;
	s3 =	sadd.s32 $0x80, s20  }
0xdc: {  	s24 =	sor.u32 s19, s3;
	v2 =	vshll.u32 v2, $0x2;
	v0 =	vld.idx.msk [tilespmem:v4+s2+$0x0], $0xffff  }
0xdd: {  	s7 =	sor.u32 $0x10, s19;
	v11 =	vld [tilespmem:s24+$0x0];
	v5 =	vshll.u32 v3, $0x2;
	v3 =	vor.u32 $0x1, v4  }
0xde: {  	s6 =	sor.u32 $0x20, s19;
	s14 =	sor.u32 $0x30, s19;
	s15 =	sor.u32 s7, s3;
	v6 =	vld.idx.msk [tilespmem:v1+s2+$0x0], $0xffff  }
0xdf: {  	s21 =	sor.u32 s14, s3;
	s3 =	sor.u32 s6, s3;
	v13 =	vld [tilespmem:s15+$0x0]  }
0xe0: {  	s8 =	sor.u32 s13, s18;
	v15 =	vld [tilespmem:s3+$0x0];
	v7 =	vor.u32 $0x1, v1  }
0xe1: {  	v8 =	vld.idx.msk [tilespmem:v2+s2+$0x0], $0xffff;
	[tilespmem:s8+$0x0] =	vst v0  }
0xe2: {  	s1 =	sor.u32 s1, s18;
	v10 =	vor.u32 $0x1, v2;
	v0 =	vld.idx.msk [tilespmem:v3+s2+$0x0], $0xffff  }
0xe3: {  	[tilespmem:s1+$0x0] =	vst v6;
	v6 =	vld [tilespmem:s21+$0x0];
	v3 =	vor.u32 $0x2, v4  }
0xe4: {  	v9 =	vld.idx.msk [tilespmem:v5+s2+$0x0], $0xffff  }
0xe5: {  	s3 =	sor.u32 s9, s18;
	v12 =	vor.u32 $0x1, v5;
	v7 =	vld.idx.msk [tilespmem:v7+s2+$0x0], $0xffff  }
0xe6: {  	v14 =	vor.u32 $0x2, v1;
	[tilespmem:s3+$0x0] =	vst v8  }
0xe7: {  	v20 =	vshll.u32 v13, $0x2;
	v8 =	vld.idx.msk [tilespmem:v10+s2+$0x0], $0xffff;
	[tilespmem:s8+$0x80] =	vst v0  }
0xe8: {  	s4 =	sor.u32 s12, s18;
	v0 =	vshll.u32 v6, $0x2;
	v3 =	vld.idx.msk [tilespmem:v3+s2+$0x0], $0xffff  }
0xe9: {  	[tilespmem:s4+$0x0] =	vst v9;
	v4 =	vor.u32 $0x3, v4  }
0xea: {  	v10 =	vshll.u32 v11, $0x2;
	v16 =	vld.idx.msk [tilespmem:v12+s2+$0x0], $0xffff;
	[tilespmem:s1+$0x80] =	vst v7  }
0xeb: {  	v22 =	vshll.u32 v15, $0x2;
	v21 =	vld.idx.msk [tilespmem:v14+s2+$0x0], $0xffff  }
0xec: {  	v23 =	vor.u32 $0x2, v2;
	v9 =	vor.u32 $0x1, v20;
	v7 =	vor.u32 $0x2, v5;
	[tilespmem:s3+$0x80] =	vst v8;
	v14 =	vld.idx.msk [tilespmem:v20+s2+$0x0], $0xffff  }
0xed: {  	v8 =	vor.u32 $0x3, v20;
	v19 =	vld.idx.msk [tilespmem:v0+s2+$0x0], $0xffff;
	[tilespmem:s8+$0x100] =	vst v3;
	v3 =	vor.u32 $0x3, v1;
	v1 =	vor.u32 $0x3, v2  }
0xee: {  	v2 =	vor.u32 $0x3, v5;
	v5 =	vor.u32 $0x2, v20;
	v20 =	vor.u32 $0x1, v0;
	v15 =	vld.idx.msk [tilespmem:v4+s2+$0x0], $0xffff  }
0xef: {  	v18 =	vld.idx.msk [tilespmem:v10+s2+$0x0], $0xffff  }
0xf0: {  	s17 =	sadd.s32 $0x6480, s11;
	s11 =	simm.s32 $0x200;
	v13 =	vor.u32 $0x2, v22;
	v17 =	vld.idx.msk [tilespmem:v22+s2+$0x0], $0xffff;
	v12 =	vor.u32 $0x1, v10;
	v11 =	vor.u32 $0x3, v10;
	[tilespmem:s4+$0x80] =	vst v16  }
0xf1: {  	s10 =	sor.u32 s19, s17;
	s13 =	sor.u32 s14, s17;
	s9 =	simm.s32 $0x4;
	v6 =	vor.u32 $0x2, v10;
	v10 =	vor.u32 $0x1, v22;
	v16 =	vld.idx.msk [tilespmem:v23+s2+$0x0], $0xffff;
	[tilespmem:s1+$0x100] =	vst v21;
	v4 =	vor.u32 $0x3, v22  }
.LBB2_6:
0xf2: {  	s12 =	sand.u32 $0xFE00, s11;
	s9 =	sadd.s32 $0x4, s9;
	[tilespmem:s13+$0x0] =	vst v19;
	s5 =	sadd.s32 $0x40, s5;
	v19 =	vld.idx.msk [tilespmem:v7+s2+$0x0], $0xffff;
	v7 =	vmov v13  }
0xf3: {  	s14 =	sand.u32 $0x40, s5;
	s15 =	sshrl.u32 s12, $0x2;
	p0 =	slt.u32 s9, $0x31C;
	v13 =	vld.idx.msk [tilespmem:v20+s2+$0x0], $0xffff;
	[tilespmem:s8+$0x180] =	vst v15  }
0xf4: {  	s8 =	sadd.s32 $0x80, s15;
	s18 =	sor.u32 $0x10, s14;
	s15 =	sor.u32 $0x30, s14;
	[tilespmem:s10+$0x0] =	vst v18;
	v15 =	vld.idx.msk [tilespmem:v3+s2+$0x0], $0xffff;
	v3 =	vmov v11  }
0xf5: {  	s20 =	sor.u32 $0x20, s14;
	s19 =	sor.u32 s14, s8;
	s16 =	sor.u32 s15, s8;
	v11 =	vld.idx.msk [tilespmem:v12+s2+$0x0], $0xffff;
	v12 =	vor.u32 $0x2, v0  }
0xf6: {  	s21 =	sor.u32 s18, s8;
	s24 =	sor.u32 s20, s8;
	v18 =	vld [tilespmem:s16+$0x0];
	s16 =	sor.u32 s7, s17  }
0xf7: {  	s8 =	sor.u32 s6, s17;
	s6 =	smov.u32 s20;
	s7 =	smov.u32 s18;
	v20 =	vld [tilespmem:s19+$0x0];
	[tilespmem:s16+$0x0] =	vst v14  }
0xf8: {  	s18 =	smov.u32 s4;
	s4 =	smov.u32 s8;
	v14 =	vld [tilespmem:s21+$0x0];
	[tilespmem:s8+$0x0] =	vst v17;
	s8 =	smov.u32 s13  }
0xf9: {  	v17 =	vld [tilespmem:s24+$0x0];
	[tilespmem:s8+$0x80] =	vst v13  }
0xfa: {  	v21 =	vld.idx.msk [tilespmem:v12+s2+$0x0], $0xffff;
	[tilespmem:s3+$0x100] =	vst v16  }
0xfb: {  	v16 =	vshll.u32 v18, $0x2;
	[tilespmem:s10+$0x80] =	vst v11;
	v18 =	vld.idx.msk [tilespmem:v9+s2+$0x0], $0xffff  }
0xfc: {  	v23 =	vor.u32 $0x3, v0;
	v20 =	vshll.u32 v20, $0x2;
	v22 =	vld.idx.msk [tilespmem:v10+s2+$0x0], $0xffff;
	[tilespmem:s18+$0x100] =	vst v19;
	v0 =	vmov v16  }
0xfd: {  	v12 =	vor.u32 $0x1, v20;
	v14 =	vshll.u32 v14, $0x2;
	v24 =	vld.idx.msk [tilespmem:v6+s2+$0x0], $0xffff;
	v6 =	vor.u32 $0x2, v20;
	[tilespmem:s1+$0x180] =	vst v15;
	s1 =	smov.u32 s10  }
0xfe: {  	v9 =	vor.u32 $0x1, v14;
	v25 =	vor.u32 $0x2, v14;
	v17 =	vshll.u32 v17, $0x2;
	v26 =	vld.idx.msk [tilespmem:v1+s2+$0x0], $0xffff;
	v1 =	vmovc v8  }
0xff: {  	v11 =	vor.u32 $0x3, v20;
	v10 =	vor.u32 $0x1, v17;
	v13 =	vor.u32 $0x2, v17;
	v27 =	vld.idx.msk [tilespmem:v2+s2+$0x0], $0xffff;
	v2 =	vmovc v4  }
0x100: {  	v8 =	vor.u32 $0x3, v14;
	v4 =	vor.u32 $0x3, v17;
	v19 =	vld.idx.msk [tilespmem:v16+s2+$0x0], $0xffff;
	[tilespmem:s8+$0x100] =	vst v21  }
.Ltmp2:
0x101: {  	[tilespmem:s16+$0x80] =	vst v18;
	v15 =	vld.idx.msk [tilespmem:v23+s2+$0x0], $0xffff;
	(pc) =	sbr.rel @p0 .LBB2_6-.Ltmp2, $4  }
0x102: {  	v18 =	vld.idx.msk [tilespmem:v20+s2+$0x0], $0xffff;
	v20 =	vor.u32 $0x1, v0;
	[tilespmem:s4+$0x80] =	vst v22  }
0x103: {  	v14 =	vld.idx.msk [tilespmem:v14+s2+$0x0], $0xffff;
	[tilespmem:s1+$0x100] =	vst v24  }
0x104: {  	s17 =	sadd.s32 $0x6480, s12;
	v17 =	vld.idx.msk [tilespmem:v17+s2+$0x0], $0xffff;
	[tilespmem:s3+$0x180] =	vst v26;
	s3 =	smov.u32 s16  }
0x105: {  	s11 =	sadd.s32 $0x100, s11;
	s13 =	sor.u32 s15, s17;
	s10 =	sor.u32 s14, s17;
	v16 =	vld.idx.msk [tilespmem:v5+s2+$0x0], $0xffff;
	[tilespmem:s18+$0x180] =	vst v27;
	v5 =	vmov v25  }
0x106: {  	_ =	sdelay $0x2  }
0x107: {  	[tilespmem:s13+$0x0] =	vst v19  }
0x108: {  	s5 =	sor.u32 s7, s17;
	v19 =	vld.idx.msk [tilespmem:v20+s2+$0x0], $0xffff;
	[tilespmem:s10+$0x0] =	vst v18  }
0x109: {  	s6 =	sor.u32 s6, s17;
	v18 =	vor.u32 $0x2, v0;
	v12 =	vld.idx.msk [tilespmem:v12+s2+$0x0], $0xffff;
	[tilespmem:s5+$0x0] =	vst v14  }
0x10a: {  	[tilespmem:s6+$0x0] =	vst v17;
	v9 =	vld.idx.msk [tilespmem:v9+s2+$0x0], $0xffff  }
0x10b: {  	[tilespmem:s8+$0x180] =	vst v15;
	v10 =	vld.idx.msk [tilespmem:v10+s2+$0x0], $0xffff  }
0x10c: {  	v7 =	vld.idx.msk [tilespmem:v7+s2+$0x0], $0xffff;
	[tilespmem:s3+$0x100] =	vst v16  }
0x10d: {  	v3 =	vld.idx.msk [tilespmem:v3+s2+$0x0], $0xffff;
	[tilespmem:s13+$0x80] =	vst v19  }
0x10e: {  	v14 =	vld.idx.msk [tilespmem:v18+s2+$0x0], $0xffff;
	[tilespmem:s10+$0x80] =	vst v12  }
0x10f: {  	v0 =	vor.u32 $0x3, v0;
	v6 =	vld.idx.msk [tilespmem:v6+s2+$0x0], $0xffff;
	[tilespmem:s5+$0x80] =	vst v9  }
0x110: {  	[tilespmem:s6+$0x80] =	vst v10;
	v5 =	vld.idx.msk [tilespmem:v5+s2+$0x0], $0xffff  }
0x111: {  	[tilespmem:s4+$0x100] =	vst v7;
	v7 =	vld.idx.msk [tilespmem:v13+s2+$0x0], $0xffff  }
0x112: {  	[tilespmem:s1+$0x180] =	vst v3;
	v1 =	vld.idx.msk [tilespmem:v1+s2+$0x0], $0xffff  }
0x113: {  	v2 =	vld.idx.msk [tilespmem:v2+s2+$0x0], $0xffff;
	[tilespmem:s13+$0x100] =	vst v14  }
0x114: {  	v0 =	vld.idx.msk [tilespmem:v0+s2+$0x0], $0xffff;
	[tilespmem:s10+$0x100] =	vst v6  }
0x115: {  	v3 =	vld.idx.msk [tilespmem:v11+s2+$0x0], $0xffff;
	[tilespmem:s5+$0x100] =	vst v5  }
0x116: {  	[tilespmem:s6+$0x100] =	vst v7;
	v5 =	vld.idx.msk [tilespmem:v8+s2+$0x0], $0xffff  }
0x117: {  	[tilespmem:s3+$0x180] =	vst v1;
	v1 =	vld.idx.msk [tilespmem:v4+s2+$0x0], $0xffff  }
0x118: {  	[tilespmem:s4+$0x180] =	vst v2  }
0x119: {  	[tilespmem:s13+$0x180] =	vst v0  }
0x11a: {  	[tilespmem:s10+$0x180] =	vst v3  }
0x11b: {  	[tilespmem:s5+$0x180] =	vst v5  }
0x11c: {  	[tilespmem:s6+$0x180] =	vst v1  }
0x11d: {  	s9 =	simm.s32 $0x0;
	s3 =	rddreg [dreg:$0xb]  }
0x11e: {  	[hbm4b:s3+s9] =	stream.linear.scatter [tilespmem:s26], [sflag:$0x4], $0xC800, $0x38;
	[tilespmem:$0x1F480] =	vst v63  }
0x11f: {  	s10 =	rddreg [dreg:$0xc]  }
0x120: {  	[tilespmem:s23], [sflag:$0x2] =	stream.strided.gather [hbm4b:s10+s23], $0x3200, s22, s23, $0x38;
	[tilespmem:$0x1F480] =	vst v63  }
0x121: {  	_ =	swait.ge [sflag:s28], $0x3200  }
0x122: {  	[sflag:s28] =	ssyncset.done $0x0  }
0x123: {  	s11 =	sand.u32 $0xFE00, s9;
	[sflag:s28] =	ssyncadd.s32 $0xFFFFCE00  }
0x124: {  	s12 =	sshrl.u32 s11, $0x2;
	s1 =	sand.u32 $0x40, s9;
	_ =	swait.ge [sflag:s31], $0xC800  }
0x125: {  	s4 =	sadd.s32 $0x3280, s12;
	s13 =	sor.u32 $0x30, s1;
	[sflag:s31] =	ssyncset.done $0x0  }
0x126: {  	s14 =	sor.u32 s13, s4;
	[sflag:s31] =	ssyncadd.s32 $0xFFFF3800  }
0x127: {  	v0 =	vld [tilespmem:s14+$0x0]  }
0x128: {  	s15 =	sor.u32 s1, s4  }
0x129: {  	v1 =	vld [tilespmem:s15+$0x0]  }
0x12a: {  	s9 =	sor.u32 $0x10, s1  }
0x12b: {  	s12 =	sor.u32 $0x20, s1;
	s16 =	sor.u32 s9, s4  }
0x12c: {  	s4 =	sor.u32 s12, s4;
	v2 =	vld [tilespmem:s16+$0x0];
	v4 =	vshll.u32 v0, $0x2  }
0x12d: {  	s17 =	simm.s32 $0x100;
	v3 =	vld [tilespmem:s4+$0x0]  }
0x12e: {  	s18 =	sadd.s32 $0x12C80, s11;
	s11 =	sand.u32 $0xFE00, s17;
	v1 =	vshll.u32 v1, $0x2  }
0x12f: {  	s20 =	sshrl.u32 s11, $0x2;
	s5 =	simm.s32 $0x40  }
0x130: {  	s19 =	sand.u32 $0x40, s5;
	s3 =	sadd.s32 $0x3280, s20  }
0x131: {  	s24 =	sor.u32 s19, s3;
	v2 =	vshll.u32 v2, $0x2;
	v0 =	vld.idx.msk [tilespmem:v4+s2+$0x0], $0xffff  }
0x132: {  	s7 =	sor.u32 $0x10, s19;
	v11 =	vld [tilespmem:s24+$0x0];
	v5 =	vshll.u32 v3, $0x2;
	v3 =	vor.u32 $0x1, v4  }
0x133: {  	s6 =	sor.u32 $0x20, s19;
	s14 =	sor.u32 $0x30, s19;
	s15 =	sor.u32 s7, s3;
	v6 =	vld.idx.msk [tilespmem:v1+s2+$0x0], $0xffff  }
0x134: {  	s21 =	sor.u32 s14, s3;
	s3 =	sor.u32 s6, s3;
	v13 =	vld [tilespmem:s15+$0x0]  }
0x135: {  	s8 =	sor.u32 s13, s18;
	v15 =	vld [tilespmem:s3+$0x0];
	v7 =	vor.u32 $0x1, v1  }
0x136: {  	v8 =	vld.idx.msk [tilespmem:v2+s2+$0x0], $0xffff;
	[tilespmem:s8+$0x0] =	vst v0  }
0x137: {  	s1 =	sor.u32 s1, s18;
	v10 =	vor.u32 $0x1, v2;
	v0 =	vld.idx.msk [tilespmem:v3+s2+$0x0], $0xffff  }
0x138: {  	[tilespmem:s1+$0x0] =	vst v6;
	v6 =	vld [tilespmem:s21+$0x0];
	v3 =	vor.u32 $0x2, v4  }
0x139: {  	v9 =	vld.idx.msk [tilespmem:v5+s2+$0x0], $0xffff  }
0x13a: {  	s3 =	sor.u32 s9, s18;
	v12 =	vor.u32 $0x1, v5;
	v7 =	vld.idx.msk [tilespmem:v7+s2+$0x0], $0xffff  }
0x13b: {  	v14 =	vor.u32 $0x2, v1;
	[tilespmem:s3+$0x0] =	vst v8  }
0x13c: {  	v20 =	vshll.u32 v13, $0x2;
	v8 =	vld.idx.msk [tilespmem:v10+s2+$0x0], $0xffff;
	[tilespmem:s8+$0x80] =	vst v0  }
0x13d: {  	s4 =	sor.u32 s12, s18;
	v0 =	vshll.u32 v6, $0x2;
	v3 =	vld.idx.msk [tilespmem:v3+s2+$0x0], $0xffff  }
0x13e: {  	[tilespmem:s4+$0x0] =	vst v9;
	v4 =	vor.u32 $0x3, v4  }
0x13f: {  	v10 =	vshll.u32 v11, $0x2;
	v16 =	vld.idx.msk [tilespmem:v12+s2+$0x0], $0xffff;
	[tilespmem:s1+$0x80] =	vst v7  }
0x140: {  	v22 =	vshll.u32 v15, $0x2;
	v21 =	vld.idx.msk [tilespmem:v14+s2+$0x0], $0xffff  }
0x141: {  	v23 =	vor.u32 $0x2, v2;
	v9 =	vor.u32 $0x1, v20;
	v7 =	vor.u32 $0x2, v5;
	[tilespmem:s3+$0x80] =	vst v8;
	v14 =	vld.idx.msk [tilespmem:v20+s2+$0x0], $0xffff  }
0x142: {  	v8 =	vor.u32 $0x3, v20;
	v19 =	vld.idx.msk [tilespmem:v0+s2+$0x0], $0xffff;
	[tilespmem:s8+$0x100] =	vst v3;
	v3 =	vor.u32 $0x3, v1;
	v1 =	vor.u32 $0x3, v2  }
0x143: {  	v2 =	vor.u32 $0x3, v5;
	v5 =	vor.u32 $0x2, v20;
	v20 =	vor.u32 $0x1, v0;
	v15 =	vld.idx.msk [tilespmem:v4+s2+$0x0], $0xffff  }
0x144: {  	v18 =	vld.idx.msk [tilespmem:v10+s2+$0x0], $0xffff  }
0x145: {  	s17 =	sadd.s32 $0x12C80, s11;
	s11 =	simm.s32 $0x200;
	v13 =	vor.u32 $0x2, v22;
	v17 =	vld.idx.msk [tilespmem:v22+s2+$0x0], $0xffff;
	v12 =	vor.u32 $0x1, v10;
	v11 =	vor.u32 $0x3, v10;
	[tilespmem:s4+$0x80] =	vst v16  }
0x146: {  	s10 =	sor.u32 s19, s17;
	s13 =	sor.u32 s14, s17;
	s9 =	simm.s32 $0x4;
	v6 =	vor.u32 $0x2, v10;
	v10 =	vor.u32 $0x1, v22;
	v16 =	vld.idx.msk [tilespmem:v23+s2+$0x0], $0xffff;
	[tilespmem:s1+$0x100] =	vst v21;
	v4 =	vor.u32 $0x3, v22  }
.LBB2_8:
0x147: {  	s12 =	sand.u32 $0xFE00, s11;
	s9 =	sadd.s32 $0x4, s9;
	[tilespmem:s13+$0x0] =	vst v19;
	s5 =	sadd.s32 $0x40, s5;
	v19 =	vld.idx.msk [tilespmem:v7+s2+$0x0], $0xffff;
	v7 =	vmov v13  }
0x148: {  	s14 =	sand.u32 $0x40, s5;
	s15 =	sshrl.u32 s12, $0x2;
	p0 =	slt.u32 s9, $0x31C;
	v13 =	vld.idx.msk [tilespmem:v20+s2+$0x0], $0xffff;
	[tilespmem:s8+$0x180] =	vst v15  }
0x149: {  	s8 =	sadd.s32 $0x3280, s15;
	s18 =	sor.u32 $0x10, s14;
	s15 =	sor.u32 $0x30, s14;
	[tilespmem:s10+$0x0] =	vst v18;
	v15 =	vld.idx.msk [tilespmem:v3+s2+$0x0], $0xffff;
	v3 =	vmov v11  }
0x14a: {  	s20 =	sor.u32 $0x20, s14;
	s19 =	sor.u32 s14, s8;
	s16 =	sor.u32 s15, s8;
	v11 =	vld.idx.msk [tilespmem:v12+s2+$0x0], $0xffff;
	v12 =	vor.u32 $0x2, v0  }
0x14b: {  	s21 =	sor.u32 s18, s8;
	s24 =	sor.u32 s20, s8;
	v18 =	vld [tilespmem:s16+$0x0];
	s16 =	sor.u32 s7, s17  }
0x14c: {  	s8 =	sor.u32 s6, s17;
	s6 =	smov.u32 s20;
	s7 =	smov.u32 s18;
	v20 =	vld [tilespmem:s19+$0x0];
	[tilespmem:s16+$0x0] =	vst v14  }
0x14d: {  	s18 =	smov.u32 s4;
	s4 =	smov.u32 s8;
	v14 =	vld [tilespmem:s21+$0x0];
	[tilespmem:s8+$0x0] =	vst v17;
	s8 =	smov.u32 s13  }
0x14e: {  	v17 =	vld [tilespmem:s24+$0x0];
	[tilespmem:s8+$0x80] =	vst v13  }
0x14f: {  	v21 =	vld.idx.msk [tilespmem:v12+s2+$0x0], $0xffff;
	[tilespmem:s3+$0x100] =	vst v16  }
0x150: {  	v16 =	vshll.u32 v18, $0x2;
	[tilespmem:s10+$0x80] =	vst v11;
	v18 =	vld.idx.msk [tilespmem:v9+s2+$0x0], $0xffff  }
0x151: {  	v23 =	vor.u32 $0x3, v0;
	v20 =	vshll.u32 v20, $0x2;
	v22 =	vld.idx.msk [tilespmem:v10+s2+$0x0], $0xffff;
	[tilespmem:s18+$0x100] =	vst v19;
	v0 =	vmov v16  }
0x152: {  	v12 =	vor.u32 $0x1, v20;
	v14 =	vshll.u32 v14, $0x2;
	v24 =	vld.idx.msk [tilespmem:v6+s2+$0x0], $0xffff;
	v6 =	vor.u32 $0x2, v20;
	[tilespmem:s1+$0x180] =	vst v15;
	s1 =	smov.u32 s10  }
0x153: {  	v9 =	vor.u32 $0x1, v14;
	v25 =	vor.u32 $0x2, v14;
	v17 =	vshll.u32 v17, $0x2;
	v26 =	vld.idx.msk [tilespmem:v1+s2+$0x0], $0xffff;
	v1 =	vmovc v8  }
0x154: {  	v11 =	vor.u32 $0x3, v20;
	v10 =	vor.u32 $0x1, v17;
	v13 =	vor.u32 $0x2, v17;
	v27 =	vld.idx.msk [tilespmem:v2+s2+$0x0], $0xffff;
	v2 =	vmovc v4  }
0x155: {  	v8 =	vor.u32 $0x3, v14;
	v4 =	vor.u32 $0x3, v17;
	v19 =	vld.idx.msk [tilespmem:v16+s2+$0x0], $0xffff;
	[tilespmem:s8+$0x100] =	vst v21  }
.Ltmp3:
0x156: {  	[tilespmem:s16+$0x80] =	vst v18;
	v15 =	vld.idx.msk [tilespmem:v23+s2+$0x0], $0xffff;
	(pc) =	sbr.rel @p0 .LBB2_8-.Ltmp3, $4  }
0x157: {  	v18 =	vld.idx.msk [tilespmem:v20+s2+$0x0], $0xffff;
	v20 =	vor.u32 $0x1, v0;
	[tilespmem:s4+$0x80] =	vst v22  }
0x158: {  	v14 =	vld.idx.msk [tilespmem:v14+s2+$0x0], $0xffff;
	[tilespmem:s1+$0x100] =	vst v24  }
0x159: {  	s17 =	sadd.s32 $0x12C80, s12;
	v17 =	vld.idx.msk [tilespmem:v17+s2+$0x0], $0xffff;
	[tilespmem:s3+$0x180] =	vst v26;
	s3 =	smov.u32 s16  }
0x15a: {  	s11 =	sadd.s32 $0x100, s11;
	s13 =	sor.u32 s15, s17;
	s10 =	sor.u32 s14, s17;
	v16 =	vld.idx.msk [tilespmem:v5+s2+$0x0], $0xffff;
	[tilespmem:s18+$0x180] =	vst v27;
	v5 =	vmov v25  }
0x15b: {  	_ =	sdelay $0x2  }
0x15c: {  	[tilespmem:s13+$0x0] =	vst v19  }
0x15d: {  	s5 =	sor.u32 s7, s17;
	v19 =	vld.idx.msk [tilespmem:v20+s2+$0x0], $0xffff;
	[tilespmem:s10+$0x0] =	vst v18  }
0x15e: {  	s6 =	sor.u32 s6, s17;
	v18 =	vor.u32 $0x2, v0;
	v12 =	vld.idx.msk [tilespmem:v12+s2+$0x0], $0xffff;
	[tilespmem:s5+$0x0] =	vst v14  }
0x15f: {  	[tilespmem:s6+$0x0] =	vst v17;
	v9 =	vld.idx.msk [tilespmem:v9+s2+$0x0], $0xffff  }
0x160: {  	[tilespmem:s8+$0x180] =	vst v15;
	v10 =	vld.idx.msk [tilespmem:v10+s2+$0x0], $0xffff  }
0x161: {  	v7 =	vld.idx.msk [tilespmem:v7+s2+$0x0], $0xffff;
	[tilespmem:s3+$0x100] =	vst v16  }
0x162: {  	v3 =	vld.idx.msk [tilespmem:v3+s2+$0x0], $0xffff;
	[tilespmem:s13+$0x80] =	vst v19  }
0x163: {  	v14 =	vld.idx.msk [tilespmem:v18+s2+$0x0], $0xffff;
	[tilespmem:s10+$0x80] =	vst v12  }
0x164: {  	v0 =	vor.u32 $0x3, v0;
	v6 =	vld.idx.msk [tilespmem:v6+s2+$0x0], $0xffff;
	[tilespmem:s5+$0x80] =	vst v9  }
0x165: {  	[tilespmem:s6+$0x80] =	vst v10;
	v5 =	vld.idx.msk [tilespmem:v5+s2+$0x0], $0xffff  }
0x166: {  	[tilespmem:s4+$0x100] =	vst v7;
	v7 =	vld.idx.msk [tilespmem:v13+s2+$0x0], $0xffff  }
0x167: {  	[tilespmem:s1+$0x180] =	vst v3;
	v1 =	vld.idx.msk [tilespmem:v1+s2+$0x0], $0xffff  }
0x168: {  	v2 =	vld.idx.msk [tilespmem:v2+s2+$0x0], $0xffff;
	[tilespmem:s13+$0x100] =	vst v14  }
0x169: {  	v0 =	vld.idx.msk [tilespmem:v0+s2+$0x0], $0xffff;
	[tilespmem:s10+$0x100] =	vst v6  }
0x16a: {  	v3 =	vld.idx.msk [tilespmem:v11+s2+$0x0], $0xffff;
	[tilespmem:s5+$0x100] =	vst v5  }
0x16b: {  	[tilespmem:s6+$0x100] =	vst v7;
	v5 =	vld.idx.msk [tilespmem:v8+s2+$0x0], $0xffff  }
0x16c: {  	[tilespmem:s3+$0x180] =	vst v1;
	v1 =	vld.idx.msk [tilespmem:v4+s2+$0x0], $0xffff  }
0x16d: {  	[tilespmem:s4+$0x180] =	vst v2  }
0x16e: {  	[tilespmem:s13+$0x180] =	vst v0  }
0x16f: {  	[tilespmem:s10+$0x180] =	vst v3  }
0x170: {  	[tilespmem:s5+$0x180] =	vst v5  }
0x171: {  	[tilespmem:s6+$0x180] =	vst v1  }
0x172: {  	s8 =	simm.s32 $0x0;
	s3 =	rddreg [dreg:$0xd]  }
0x173: {  	[hbm4b:s3+s8] =	stream.linear.scatter [tilespmem:s29], [sflag:$0x5], $0xC800, $0x38;
	[tilespmem:$0x1F480] =	vst v63  }
0x174: {  	s10 =	simm.s32 $0x3280;
	s9 =	rddreg [dreg:$0xe]  }
0x175: {  	[tilespmem:s10], [sflag:$0x3] =	stream.strided.gather [hbm4b:s9+s23], $0x3200, s22, s23, $0x38;
	[tilespmem:$0x1F480] =	vst v63  }
0x176: {  	_ =	swait.ge [sflag:s25], $0x3200  }
0x177: {  	[sflag:s25] =	ssyncset.done $0x0  }
0x178: {  	s11 =	sand.u32 $0xFE00, s8;
	[sflag:s25] =	ssyncadd.s32 $0xFFFFCE00  }
0x179: {  	s12 =	sshrl.u32 s11, $0x2;
	s1 =	sand.u32 $0x40, s8;
	_ =	swait.ge [sflag:s30], $0xC800  }
0x17a: {  	s4 =	sadd.s32 $0x80, s12;
	s13 =	sor.u32 $0x30, s1;
	[sflag:s30] =	ssyncset.done $0x0  }
0x17b: {  	s14 =	sor.u32 s13, s4;
	[sflag:s30] =	ssyncadd.s32 $0xFFFF3800  }
0x17c: {  	v0 =	vld [tilespmem:s14+$0x0]  }
0x17d: {  	s15 =	sor.u32 s1, s4  }
0x17e: {  	v1 =	vld [tilespmem:s15+$0x0]  }
0x17f: {  	s9 =	sor.u32 $0x10, s1  }
0x180: {  	s12 =	sor.u32 $0x20, s1;
	s16 =	sor.u32 s9, s4  }
0x181: {  	s4 =	sor.u32 s12, s4;
	v2 =	vld [tilespmem:s16+$0x0];
	v4 =	vshll.u32 v0, $0x2  }
0x182: {  	s17 =	simm.s32 $0x100;
	v3 =	vld [tilespmem:s4+$0x0]  }
0x183: {  	s18 =	sadd.s32 $0x6480, s11;
	s11 =	sand.u32 $0xFE00, s17;
	v1 =	vshll.u32 v1, $0x2  }
0x184: {  	s20 =	sshrl.u32 s11, $0x2;
	s5 =	simm.s32 $0x40  }
0x185: {  	s19 =	sand.u32 $0x40, s5;
	s3 =	sadd.s32 $0x80, s20  }
0x186: {  	s24 =	sor.u32 s19, s3;
	v2 =	vshll.u32 v2, $0x2;
	v0 =	vld.idx.msk [tilespmem:v4+s2+$0x0], $0xffff  }
0x187: {  	s7 =	sor.u32 $0x10, s19;
	v11 =	vld [tilespmem:s24+$0x0];
	v5 =	vshll.u32 v3, $0x2;
	v3 =	vor.u32 $0x1, v4  }
0x188: {  	s6 =	sor.u32 $0x20, s19;
	s14 =	sor.u32 $0x30, s19;
	s15 =	sor.u32 s7, s3;
	v6 =	vld.idx.msk [tilespmem:v1+s2+$0x0], $0xffff  }
0x189: {  	s21 =	sor.u32 s14, s3;
	s3 =	sor.u32 s6, s3;
	v13 =	vld [tilespmem:s15+$0x0]  }
0x18a: {  	s8 =	sor.u32 s13, s18;
	v15 =	vld [tilespmem:s3+$0x0];
	v7 =	vor.u32 $0x1, v1  }
0x18b: {  	v8 =	vld.idx.msk [tilespmem:v2+s2+$0x0], $0xffff;
	[tilespmem:s8+$0x0] =	vst v0  }
0x18c: {  	s1 =	sor.u32 s1, s18;
	v10 =	vor.u32 $0x1, v2;
	v0 =	vld.idx.msk [tilespmem:v3+s2+$0x0], $0xffff  }
0x18d: {  	[tilespmem:s1+$0x0] =	vst v6;
	v6 =	vld [tilespmem:s21+$0x0];
	v3 =	vor.u32 $0x2, v4  }
0x18e: {  	v9 =	vld.idx.msk [tilespmem:v5+s2+$0x0], $0xffff  }
0x18f: {  	s3 =	sor.u32 s9, s18;
	v12 =	vor.u32 $0x1, v5;
	v7 =	vld.idx.msk [tilespmem:v7+s2+$0x0], $0xffff  }
0x190: {  	v14 =	vor.u32 $0x2, v1;
	[tilespmem:s3+$0x0] =	vst v8  }
0x191: {  	v20 =	vshll.u32 v13, $0x2;
	v8 =	vld.idx.msk [tilespmem:v10+s2+$0x0], $0xffff;
	[tilespmem:s8+$0x80] =	vst v0  }
0x192: {  	s4 =	sor.u32 s12, s18;
	v0 =	vshll.u32 v6, $0x2;
	v3 =	vld.idx.msk [tilespmem:v3+s2+$0x0], $0xffff  }
0x193: {  	[tilespmem:s4+$0x0] =	vst v9;
	v4 =	vor.u32 $0x3, v4  }
0x194: {  	v10 =	vshll.u32 v11, $0x2;
	v16 =	vld.idx.msk [tilespmem:v12+s2+$0x0], $0xffff;
	[tilespmem:s1+$0x80] =	vst v7  }
0x195: {  	v22 =	vshll.u32 v15, $0x2;
	v21 =	vld.idx.msk [tilespmem:v14+s2+$0x0], $0xffff  }
0x196: {  	v23 =	vor.u32 $0x2, v2;
	v9 =	vor.u32 $0x1, v20;
	v7 =	vor.u32 $0x2, v5;
	[tilespmem:s3+$0x80] =	vst v8;
	v14 =	vld.idx.msk [tilespmem:v20+s2+$0x0], $0xffff  }
0x197: {  	v8 =	vor.u32 $0x3, v20;
	v19 =	vld.idx.msk [tilespmem:v0+s2+$0x0], $0xffff;
	[tilespmem:s8+$0x100] =	vst v3;
	v3 =	vor.u32 $0x3, v1;
	v1 =	vor.u32 $0x3, v2  }
0x198: {  	v2 =	vor.u32 $0x3, v5;
	v5 =	vor.u32 $0x2, v20;
	v20 =	vor.u32 $0x1, v0;
	v15 =	vld.idx.msk [tilespmem:v4+s2+$0x0], $0xffff  }
0x199: {  	v18 =	vld.idx.msk [tilespmem:v10+s2+$0x0], $0xffff  }
0x19a: {  	s17 =	sadd.s32 $0x6480, s11;
	s11 =	simm.s32 $0x200;
	v13 =	vor.u32 $0x2, v22;
	v17 =	vld.idx.msk [tilespmem:v22+s2+$0x0], $0xffff;
	v12 =	vor.u32 $0x1, v10;
	v11 =	vor.u32 $0x3, v10;
	[tilespmem:s4+$0x80] =	vst v16  }
0x19b: {  	s10 =	sor.u32 s19, s17;
	s13 =	sor.u32 s14, s17;
	s9 =	simm.s32 $0x4;
	v6 =	vor.u32 $0x2, v10;
	v10 =	vor.u32 $0x1, v22;
	v16 =	vld.idx.msk [tilespmem:v23+s2+$0x0], $0xffff;
	[tilespmem:s1+$0x100] =	vst v21;
	v4 =	vor.u32 $0x3, v22  }
.LBB2_10:
0x19c: {  	s12 =	sand.u32 $0xFE00, s11;
	s9 =	sadd.s32 $0x4, s9;
	[tilespmem:s13+$0x0] =	vst v19;
	s5 =	sadd.s32 $0x40, s5;
	v19 =	vld.idx.msk [tilespmem:v7+s2+$0x0], $0xffff;
	v7 =	vmov v13  }
0x19d: {  	s14 =	sand.u32 $0x40, s5;
	s15 =	sshrl.u32 s12, $0x2;
	p0 =	slt.u32 s9, $0x31C;
	v13 =	vld.idx.msk [tilespmem:v20+s2+$0x0], $0xffff;
	[tilespmem:s8+$0x180] =	vst v15  }
0x19e: {  	s8 =	sadd.s32 $0x80, s15;
	s18 =	sor.u32 $0x10, s14;
	s15 =	sor.u32 $0x30, s14;
	[tilespmem:s10+$0x0] =	vst v18;
	v15 =	vld.idx.msk [tilespmem:v3+s2+$0x0], $0xffff;
	v3 =	vmov v11  }
0x19f: {  	s20 =	sor.u32 $0x20, s14;
	s19 =	sor.u32 s14, s8;
	s16 =	sor.u32 s15, s8;
	v11 =	vld.idx.msk [tilespmem:v12+s2+$0x0], $0xffff;
	v12 =	vor.u32 $0x2, v0  }
0x1a0: {  	s21 =	sor.u32 s18, s8;
	s24 =	sor.u32 s20, s8;
	v18 =	vld [tilespmem:s16+$0x0];
	s16 =	sor.u32 s7, s17  }
0x1a1: {  	s8 =	sor.u32 s6, s17;
	s6 =	smov.u32 s20;
	s7 =	smov.u32 s18;
	v20 =	vld [tilespmem:s19+$0x0];
	[tilespmem:s16+$0x0] =	vst v14  }
0x1a2: {  	s18 =	smov.u32 s4;
	s4 =	smov.u32 s8;
	v14 =	vld [tilespmem:s21+$0x0];
	[tilespmem:s8+$0x0] =	vst v17;
	s8 =	smov.u32 s13  }
0x1a3: {  	v17 =	vld [tilespmem:s24+$0x0];
	[tilespmem:s8+$0x80] =	vst v13  }
0x1a4: {  	v21 =	vld.idx.msk [tilespmem:v12+s2+$0x0], $0xffff;
	[tilespmem:s3+$0x100] =	vst v16  }
0x1a5: {  	v16 =	vshll.u32 v18, $0x2;
	[tilespmem:s10+$0x80] =	vst v11;
	v18 =	vld.idx.msk [tilespmem:v9+s2+$0x0], $0xffff  }
0x1a6: {  	v23 =	vor.u32 $0x3, v0;
	v20 =	vshll.u32 v20, $0x2;
	v22 =	vld.idx.msk [tilespmem:v10+s2+$0x0], $0xffff;
	[tilespmem:s18+$0x100] =	vst v19;
	v0 =	vmov v16  }
0x1a7: {  	v12 =	vor.u32 $0x1, v20;
	v14 =	vshll.u32 v14, $0x2;
	v24 =	vld.idx.msk [tilespmem:v6+s2+$0x0], $0xffff;
	v6 =	vor.u32 $0x2, v20;
	[tilespmem:s1+$0x180] =	vst v15;
	s1 =	smov.u32 s10  }
0x1a8: {  	v9 =	vor.u32 $0x1, v14;
	v25 =	vor.u32 $0x2, v14;
	v17 =	vshll.u32 v17, $0x2;
	v26 =	vld.idx.msk [tilespmem:v1+s2+$0x0], $0xffff;
	v1 =	vmovc v8  }
0x1a9: {  	v11 =	vor.u32 $0x3, v20;
	v10 =	vor.u32 $0x1, v17;
	v13 =	vor.u32 $0x2, v17;
	v27 =	vld.idx.msk [tilespmem:v2+s2+$0x0], $0xffff;
	v2 =	vmovc v4  }
0x1aa: {  	v8 =	vor.u32 $0x3, v14;
	v4 =	vor.u32 $0x3, v17;
	v19 =	vld.idx.msk [tilespmem:v16+s2+$0x0], $0xffff;
	[tilespmem:s8+$0x100] =	vst v21  }
.Ltmp4:
0x1ab: {  	[tilespmem:s16+$0x80] =	vst v18;
	v15 =	vld.idx.msk [tilespmem:v23+s2+$0x0], $0xffff;
	(pc) =	sbr.rel @p0 .LBB2_10-.Ltmp4, $4  }
0x1ac: {  	v18 =	vld.idx.msk [tilespmem:v20+s2+$0x0], $0xffff;
	v20 =	vor.u32 $0x1, v0;
	[tilespmem:s4+$0x80] =	vst v22  }
0x1ad: {  	v14 =	vld.idx.msk [tilespmem:v14+s2+$0x0], $0xffff;
	[tilespmem:s1+$0x100] =	vst v24  }
0x1ae: {  	s17 =	sadd.s32 $0x6480, s12;
	v17 =	vld.idx.msk [tilespmem:v17+s2+$0x0], $0xffff;
	[tilespmem:s3+$0x180] =	vst v26;
	s3 =	smov.u32 s16  }
0x1af: {  	s11 =	sadd.s32 $0x100, s11;
	s13 =	sor.u32 s15, s17;
	s10 =	sor.u32 s14, s17;
	v16 =	vld.idx.msk [tilespmem:v5+s2+$0x0], $0xffff;
	[tilespmem:s18+$0x180] =	vst v27;
	v5 =	vmov v25  }
0x1b0: {  	_ =	sdelay $0x2  }
0x1b1: {  	[tilespmem:s13+$0x0] =	vst v19  }
0x1b2: {  	s5 =	sor.u32 s7, s17;
	v19 =	vld.idx.msk [tilespmem:v20+s2+$0x0], $0xffff;
	[tilespmem:s10+$0x0] =	vst v18  }
0x1b3: {  	s6 =	sor.u32 s6, s17;
	v18 =	vor.u32 $0x2, v0;
	v12 =	vld.idx.msk [tilespmem:v12+s2+$0x0], $0xffff;
	[tilespmem:s5+$0x0] =	vst v14  }
0x1b4: {  	[tilespmem:s6+$0x0] =	vst v17;
	v9 =	vld.idx.msk [tilespmem:v9+s2+$0x0], $0xffff  }
0x1b5: {  	[tilespmem:s8+$0x180] =	vst v15;
	v10 =	vld.idx.msk [tilespmem:v10+s2+$0x0], $0xffff  }
0x1b6: {  	v7 =	vld.idx.msk [tilespmem:v7+s2+$0x0], $0xffff;
	[tilespmem:s3+$0x100] =	vst v16  }
0x1b7: {  	v3 =	vld.idx.msk [tilespmem:v3+s2+$0x0], $0xffff;
	[tilespmem:s13+$0x80] =	vst v19  }
0x1b8: {  	v14 =	vld.idx.msk [tilespmem:v18+s2+$0x0], $0xffff;
	[tilespmem:s10+$0x80] =	vst v12  }
0x1b9: {  	v0 =	vor.u32 $0x3, v0;
	v6 =	vld.idx.msk [tilespmem:v6+s2+$0x0], $0xffff;
	[tilespmem:s5+$0x80] =	vst v9  }
0x1ba: {  	[tilespmem:s6+$0x80] =	vst v10;
	v5 =	vld.idx.msk [tilespmem:v5+s2+$0x0], $0xffff  }
0x1bb: {  	[tilespmem:s4+$0x100] =	vst v7;
	v7 =	vld.idx.msk [tilespmem:v13+s2+$0x0], $0xffff  }
0x1bc: {  	[tilespmem:s1+$0x180] =	vst v3;
	v1 =	vld.idx.msk [tilespmem:v1+s2+$0x0], $0xffff  }
0x1bd: {  	v2 =	vld.idx.msk [tilespmem:v2+s2+$0x0], $0xffff;
	[tilespmem:s13+$0x100] =	vst v14  }
0x1be: {  	v0 =	vld.idx.msk [tilespmem:v0+s2+$0x0], $0xffff;
	[tilespmem:s10+$0x100] =	vst v6  }
0x1bf: {  	v3 =	vld.idx.msk [tilespmem:v11+s2+$0x0], $0xffff;
	[tilespmem:s5+$0x100] =	vst v5  }
0x1c0: {  	[tilespmem:s6+$0x100] =	vst v7;
	v5 =	vld.idx.msk [tilespmem:v8+s2+$0x0], $0xffff  }
0x1c1: {  	[tilespmem:s3+$0x180] =	vst v1;
	v1 =	vld.idx.msk [tilespmem:v4+s2+$0x0], $0xffff  }
0x1c2: {  	[tilespmem:s4+$0x180] =	vst v2  }
0x1c3: {  	[tilespmem:s13+$0x180] =	vst v0  }
0x1c4: {  	[tilespmem:s10+$0x180] =	vst v3  }
0x1c5: {  	[tilespmem:s5+$0x180] =	vst v5  }
0x1c6: {  	[tilespmem:s6+$0x180] =	vst v1  }
0x1c7: {  	s9 =	simm.s32 $0x0;
	s3 =	rddreg [dreg:$0xf]  }
0x1c8: {  	[hbm4b:s3+s9] =	stream.linear.scatter [tilespmem:s26], [sflag:$0x4], $0xC800, $0x38;
	[tilespmem:$0x1F480] =	vst v63  }
0x1c9: {  	s10 =	rddreg [dreg:$0x10]  }
0x1ca: {  	[tilespmem:s23], [sflag:$0x2] =	stream.strided.gather [hbm4b:s10+s23], $0x3200, s22, s23, $0x38;
	[tilespmem:$0x1F480] =	vst v63  }
0x1cb: {  	_ =	swait.ge [sflag:s28], $0x3200  }
0x1cc: {  	[sflag:s28] =	ssyncset.done $0x0  }
0x1cd: {  	s11 =	sand.u32 $0xFE00, s9;
	[sflag:s28] =	ssyncadd.s32 $0xFFFFCE00  }
0x1ce: {  	s12 =	sshrl.u32 s11, $0x2;
	s1 =	sand.u32 $0x40, s9;
	_ =	swait.ge [sflag:s31], $0xC800  }
0x1cf: {  	s4 =	sadd.s32 $0x3280, s12;
	s13 =	sor.u32 $0x30, s1;
	[sflag:s31] =	ssyncset.done $0x0  }
0x1d0: {  	s14 =	sor.u32 s13, s4;
	[sflag:s31] =	ssyncadd.s32 $0xFFFF3800  }
0x1d1: {  	v0 =	vld [tilespmem:s14+$0x0]  }
0x1d2: {  	s15 =	sor.u32 s1, s4  }
0x1d3: {  	v1 =	vld [tilespmem:s15+$0x0]  }
0x1d4: {  	s9 =	sor.u32 $0x10, s1  }
0x1d5: {  	s12 =	sor.u32 $0x20, s1;
	s16 =	sor.u32 s9, s4  }
0x1d6: {  	s4 =	sor.u32 s12, s4;
	v2 =	vld [tilespmem:s16+$0x0];
	v4 =	vshll.u32 v0, $0x2  }
0x1d7: {  	s17 =	simm.s32 $0x100;
	v3 =	vld [tilespmem:s4+$0x0]  }
0x1d8: {  	s18 =	sadd.s32 $0x12C80, s11;
	s11 =	sand.u32 $0xFE00, s17;
	v1 =	vshll.u32 v1, $0x2  }
0x1d9: {  	s20 =	sshrl.u32 s11, $0x2;
	s5 =	simm.s32 $0x40  }
0x1da: {  	s19 =	sand.u32 $0x40, s5;
	s3 =	sadd.s32 $0x3280, s20  }
0x1db: {  	s24 =	sor.u32 s19, s3;
	v2 =	vshll.u32 v2, $0x2;
	v0 =	vld.idx.msk [tilespmem:v4+s2+$0x0], $0xffff  }
0x1dc: {  	s7 =	sor.u32 $0x10, s19;
	v11 =	vld [tilespmem:s24+$0x0];
	v5 =	vshll.u32 v3, $0x2;
	v3 =	vor.u32 $0x1, v4  }
0x1dd: {  	s6 =	sor.u32 $0x20, s19;
	s14 =	sor.u32 $0x30, s19;
	s15 =	sor.u32 s7, s3;
	v6 =	vld.idx.msk [tilespmem:v1+s2+$0x0], $0xffff  }
0x1de: {  	s21 =	sor.u32 s14, s3;
	s3 =	sor.u32 s6, s3;
	v13 =	vld [tilespmem:s15+$0x0]  }
0x1df: {  	s8 =	sor.u32 s13, s18;
	v15 =	vld [tilespmem:s3+$0x0];
	v7 =	vor.u32 $0x1, v1  }
0x1e0: {  	v8 =	vld.idx.msk [tilespmem:v2+s2+$0x0], $0xffff;
	[tilespmem:s8+$0x0] =	vst v0  }
0x1e1: {  	s1 =	sor.u32 s1, s18;
	v10 =	vor.u32 $0x1, v2;
	v0 =	vld.idx.msk [tilespmem:v3+s2+$0x0], $0xffff  }
0x1e2: {  	[tilespmem:s1+$0x0] =	vst v6;
	v6 =	vld [tilespmem:s21+$0x0];
	v3 =	vor.u32 $0x2, v4  }
0x1e3: {  	v9 =	vld.idx.msk [tilespmem:v5+s2+$0x0], $0xffff  }
0x1e4: {  	s3 =	sor.u32 s9, s18;
	v12 =	vor.u32 $0x1, v5;
	v7 =	vld.idx.msk [tilespmem:v7+s2+$0x0], $0xffff  }
0x1e5: {  	v14 =	vor.u32 $0x2, v1;
	[tilespmem:s3+$0x0] =	vst v8  }
0x1e6: {  	v20 =	vshll.u32 v13, $0x2;
	v8 =	vld.idx.msk [tilespmem:v10+s2+$0x0], $0xffff;
	[tilespmem:s8+$0x80] =	vst v0  }
0x1e7: {  	s4 =	sor.u32 s12, s18;
	v0 =	vshll.u32 v6, $0x2;
	v3 =	vld.idx.msk [tilespmem:v3+s2+$0x0], $0xffff  }
0x1e8: {  	[tilespmem:s4+$0x0] =	vst v9;
	v4 =	vor.u32 $0x3, v4  }
0x1e9: {  	v10 =	vshll.u32 v11, $0x2;
	v16 =	vld.idx.msk [tilespmem:v12+s2+$0x0], $0xffff;
	[tilespmem:s1+$0x80] =	vst v7  }
0x1ea: {  	v22 =	vshll.u32 v15, $0x2;
	v21 =	vld.idx.msk [tilespmem:v14+s2+$0x0], $0xffff  }
0x1eb: {  	v23 =	vor.u32 $0x2, v2;
	v9 =	vor.u32 $0x1, v20;
	v7 =	vor.u32 $0x2, v5;
	[tilespmem:s3+$0x80] =	vst v8;
	v14 =	vld.idx.msk [tilespmem:v20+s2+$0x0], $0xffff  }
0x1ec: {  	v8 =	vor.u32 $0x3, v20;
	v19 =	vld.idx.msk [tilespmem:v0+s2+$0x0], $0xffff;
	[tilespmem:s8+$0x100] =	vst v3;
	v3 =	vor.u32 $0x3, v1;
	v1 =	vor.u32 $0x3, v2  }
0x1ed: {  	v2 =	vor.u32 $0x3, v5;
	v5 =	vor.u32 $0x2, v20;
	v20 =	vor.u32 $0x1, v0;
	v15 =	vld.idx.msk [tilespmem:v4+s2+$0x0], $0xffff  }
0x1ee: {  	v18 =	vld.idx.msk [tilespmem:v10+s2+$0x0], $0xffff  }
0x1ef: {  	s17 =	sadd.s32 $0x12C80, s11;
	s11 =	simm.s32 $0x200;
	v13 =	vor.u32 $0x2, v22;
	v17 =	vld.idx.msk [tilespmem:v22+s2+$0x0], $0xffff;
	v12 =	vor.u32 $0x1, v10;
	v11 =	vor.u32 $0x3, v10;
	[tilespmem:s4+$0x80] =	vst v16  }
0x1f0: {  	s10 =	sor.u32 s19, s17;
	s13 =	sor.u32 s14, s17;
	s9 =	simm.s32 $0x4;
	v6 =	vor.u32 $0x2, v10;
	v10 =	vor.u32 $0x1, v22;
	v16 =	vld.idx.msk [tilespmem:v23+s2+$0x0], $0xffff;
	[tilespmem:s1+$0x100] =	vst v21;
	v4 =	vor.u32 $0x3, v22  }
.LBB2_12:
0x1f1: {  	s12 =	sand.u32 $0xFE00, s11;
	s9 =	sadd.s32 $0x4, s9;
	[tilespmem:s13+$0x0] =	vst v19;
	s5 =	sadd.s32 $0x40, s5;
	v19 =	vld.idx.msk [tilespmem:v7+s2+$0x0], $0xffff;
	v7 =	vmov v13  }
0x1f2: {  	s14 =	sand.u32 $0x40, s5;
	s15 =	sshrl.u32 s12, $0x2;
	p0 =	slt.u32 s9, $0x31C;
	v13 =	vld.idx.msk [tilespmem:v20+s2+$0x0], $0xffff;
	[tilespmem:s8+$0x180] =	vst v15  }
0x1f3: {  	s8 =	sadd.s32 $0x3280, s15;
	s18 =	sor.u32 $0x10, s14;
	s15 =	sor.u32 $0x30, s14;
	[tilespmem:s10+$0x0] =	vst v18;
	v15 =	vld.idx.msk [tilespmem:v3+s2+$0x0], $0xffff;
	v3 =	vmov v11  }
0x1f4: {  	s20 =	sor.u32 $0x20, s14;
	s19 =	sor.u32 s14, s8;
	s16 =	sor.u32 s15, s8;
	v11 =	vld.idx.msk [tilespmem:v12+s2+$0x0], $0xffff;
	v12 =	vor.u32 $0x2, v0  }
0x1f5: {  	s21 =	sor.u32 s18, s8;
	s24 =	sor.u32 s20, s8;
	v18 =	vld [tilespmem:s16+$0x0];
	s16 =	sor.u32 s7, s17  }
0x1f6: {  	s8 =	sor.u32 s6, s17;
	s6 =	smov.u32 s20;
	s7 =	smov.u32 s18;
	v20 =	vld [tilespmem:s19+$0x0];
	[tilespmem:s16+$0x0] =	vst v14  }
0x1f7: {  	s18 =	smov.u32 s4;
	s4 =	smov.u32 s8;
	v14 =	vld [tilespmem:s21+$0x0];
	[tilespmem:s8+$0x0] =	vst v17;
	s8 =	smov.u32 s13  }
0x1f8: {  	v17 =	vld [tilespmem:s24+$0x0];
	[tilespmem:s8+$0x80] =	vst v13  }
0x1f9: {  	v21 =	vld.idx.msk [tilespmem:v12+s2+$0x0], $0xffff;
	[tilespmem:s3+$0x100] =	vst v16  }
0x1fa: {  	v16 =	vshll.u32 v18, $0x2;
	[tilespmem:s10+$0x80] =	vst v11;
	v18 =	vld.idx.msk [tilespmem:v9+s2+$0x0], $0xffff  }
0x1fb: {  	v23 =	vor.u32 $0x3, v0;
	v20 =	vshll.u32 v20, $0x2;
	v22 =	vld.idx.msk [tilespmem:v10+s2+$0x0], $0xffff;
	[tilespmem:s18+$0x100] =	vst v19;
	v0 =	vmov v16  }
0x1fc: {  	v12 =	vor.u32 $0x1, v20;
	v14 =	vshll.u32 v14, $0x2;
	v24 =	vld.idx.msk [tilespmem:v6+s2+$0x0], $0xffff;
	v6 =	vor.u32 $0x2, v20;
	[tilespmem:s1+$0x180] =	vst v15;
	s1 =	smov.u32 s10  }
0x1fd: {  	v9 =	vor.u32 $0x1, v14;
	v25 =	vor.u32 $0x2, v14;
	v17 =	vshll.u32 v17, $0x2;
	v26 =	vld.idx.msk [tilespmem:v1+s2+$0x0], $0xffff;
	v1 =	vmovc v8  }
0x1fe: {  	v11 =	vor.u32 $0x3, v20;
	v10 =	vor.u32 $0x1, v17;
	v13 =	vor.u32 $0x2, v17;
	v27 =	vld.idx.msk [tilespmem:v2+s2+$0x0], $0xffff;
	v2 =	vmovc v4  }
0x1ff: {  	v8 =	vor.u32 $0x3, v14;
	v4 =	vor.u32 $0x3, v17;
	v19 =	vld.idx.msk [tilespmem:v16+s2+$0x0], $0xffff;
	[tilespmem:s8+$0x100] =	vst v21  }
.Ltmp5:
0x200: {  	[tilespmem:s16+$0x80] =	vst v18;
	v15 =	vld.idx.msk [tilespmem:v23+s2+$0x0], $0xffff;
	(pc) =	sbr.rel @p0 .LBB2_12-.Ltmp5, $4  }
0x201: {  	v18 =	vld.idx.msk [tilespmem:v20+s2+$0x0], $0xffff;
	v20 =	vor.u32 $0x1, v0;
	[tilespmem:s4+$0x80] =	vst v22  }
0x202: {  	v14 =	vld.idx.msk [tilespmem:v14+s2+$0x0], $0xffff;
	[tilespmem:s1+$0x100] =	vst v24  }
0x203: {  	s17 =	sadd.s32 $0x12C80, s12;
	v17 =	vld.idx.msk [tilespmem:v17+s2+$0x0], $0xffff;
	[tilespmem:s3+$0x180] =	vst v26;
	s3 =	smov.u32 s16  }
0x204: {  	s11 =	sadd.s32 $0x100, s11;
	s13 =	sor.u32 s15, s17;
	s10 =	sor.u32 s14, s17;
	v16 =	vld.idx.msk [tilespmem:v5+s2+$0x0], $0xffff;
	[tilespmem:s18+$0x180] =	vst v27;
	v5 =	vmov v25  }
0x205: {  	_ =	sdelay $0x2  }
0x206: {  	[tilespmem:s13+$0x0] =	vst v19  }
0x207: {  	s5 =	sor.u32 s7, s17;
	v19 =	vld.idx.msk [tilespmem:v20+s2+$0x0], $0xffff;
	[tilespmem:s10+$0x0] =	vst v18  }
0x208: {  	s6 =	sor.u32 s6, s17;
	v18 =	vor.u32 $0x2, v0;
	v12 =	vld.idx.msk [tilespmem:v12+s2+$0x0], $0xffff;
	[tilespmem:s5+$0x0] =	vst v14  }
0x209: {  	[tilespmem:s6+$0x0] =	vst v17;
	v9 =	vld.idx.msk [tilespmem:v9+s2+$0x0], $0xffff  }
0x20a: {  	[tilespmem:s8+$0x180] =	vst v15;
	v10 =	vld.idx.msk [tilespmem:v10+s2+$0x0], $0xffff  }
0x20b: {  	v7 =	vld.idx.msk [tilespmem:v7+s2+$0x0], $0xffff;
	[tilespmem:s3+$0x100] =	vst v16  }
0x20c: {  	v3 =	vld.idx.msk [tilespmem:v3+s2+$0x0], $0xffff;
	[tilespmem:s13+$0x80] =	vst v19  }
0x20d: {  	v14 =	vld.idx.msk [tilespmem:v18+s2+$0x0], $0xffff;
	[tilespmem:s10+$0x80] =	vst v12  }
0x20e: {  	v0 =	vor.u32 $0x3, v0;
	v6 =	vld.idx.msk [tilespmem:v6+s2+$0x0], $0xffff;
	[tilespmem:s5+$0x80] =	vst v9  }
0x20f: {  	[tilespmem:s6+$0x80] =	vst v10;
	v5 =	vld.idx.msk [tilespmem:v5+s2+$0x0], $0xffff  }
0x210: {  	[tilespmem:s4+$0x100] =	vst v7;
	v7 =	vld.idx.msk [tilespmem:v13+s2+$0x0], $0xffff  }
0x211: {  	[tilespmem:s1+$0x180] =	vst v3;
	v1 =	vld.idx.msk [tilespmem:v1+s2+$0x0], $0xffff  }
0x212: {  	v2 =	vld.idx.msk [tilespmem:v2+s2+$0x0], $0xffff;
	[tilespmem:s13+$0x100] =	vst v14  }
0x213: {  	v0 =	vld.idx.msk [tilespmem:v0+s2+$0x0], $0xffff;
	[tilespmem:s10+$0x100] =	vst v6  }
0x214: {  	v3 =	vld.idx.msk [tilespmem:v11+s2+$0x0], $0xffff;
	[tilespmem:s5+$0x100] =	vst v5  }
0x215: {  	[tilespmem:s6+$0x100] =	vst v7;
	v5 =	vld.idx.msk [tilespmem:v8+s2+$0x0], $0xffff  }
0x216: {  	[tilespmem:s3+$0x180] =	vst v1;
	v1 =	vld.idx.msk [tilespmem:v4+s2+$0x0], $0xffff  }
0x217: {  	[tilespmem:s4+$0x180] =	vst v2  }
0x218: {  	[tilespmem:s13+$0x180] =	vst v0  }
0x219: {  	[tilespmem:s10+$0x180] =	vst v3  }
0x21a: {  	[tilespmem:s5+$0x180] =	vst v5  }
0x21b: {  	[tilespmem:s6+$0x180] =	vst v1  }
0x21c: {  	s8 =	simm.s32 $0x0;
	s3 =	rddreg [dreg:$0x11]  }
0x21d: {  	[hbm4b:s3+s8] =	stream.linear.scatter [tilespmem:s29], [sflag:$0x5], $0xC800, $0x38;
	[tilespmem:$0x1F480] =	vst v63  }
0x21e: {  	s10 =	simm.s32 $0x3280;
	s9 =	rddreg [dreg:$0x12]  }
0x21f: {  	[tilespmem:s10], [sflag:$0x3] =	stream.strided.gather [hbm4b:s9+s23], $0x3200, s22, s23, $0x38;
	[tilespmem:$0x1F480] =	vst v63  }
0x220: {  	_ =	swait.ge [sflag:s25], $0x3200  }
0x221: {  	[sflag:s25] =	ssyncset.done $0x0  }
0x222: {  	s11 =	sand.u32 $0xFE00, s8;
	[sflag:s25] =	ssyncadd.s32 $0xFFFFCE00  }
0x223: {  	s12 =	sshrl.u32 s11, $0x2;
	s1 =	sand.u32 $0x40, s8;
	_ =	swait.ge [sflag:s30], $0xC800  }
0x224: {  	s4 =	sadd.s32 $0x80, s12;
	s13 =	sor.u32 $0x30, s1;
	[sflag:s30] =	ssyncset.done $0x0  }
0x225: {  	s14 =	sor.u32 s13, s4;
	[sflag:s30] =	ssyncadd.s32 $0xFFFF3800  }
0x226: {  	v0 =	vld [tilespmem:s14+$0x0]  }
0x227: {  	s15 =	sor.u32 s1, s4  }
0x228: {  	v1 =	vld [tilespmem:s15+$0x0]  }
0x229: {  	s9 =	sor.u32 $0x10, s1  }
0x22a: {  	s12 =	sor.u32 $0x20, s1;
	s16 =	sor.u32 s9, s4  }
0x22b: {  	s4 =	sor.u32 s12, s4;
	v2 =	vld [tilespmem:s16+$0x0];
	v4 =	vshll.u32 v0, $0x2  }
0x22c: {  	s17 =	simm.s32 $0x100;
	v3 =	vld [tilespmem:s4+$0x0]  }
0x22d: {  	s18 =	sadd.s32 $0x6480, s11;
	s11 =	sand.u32 $0xFE00, s17;
	v1 =	vshll.u32 v1, $0x2  }
0x22e: {  	s20 =	sshrl.u32 s11, $0x2;
	s5 =	simm.s32 $0x40  }
0x22f: {  	s19 =	sand.u32 $0x40, s5;
	s3 =	sadd.s32 $0x80, s20  }
0x230: {  	s24 =	sor.u32 s19, s3;
	v2 =	vshll.u32 v2, $0x2;
	v0 =	vld.idx.msk [tilespmem:v4+s2+$0x0], $0xffff  }
0x231: {  	s7 =	sor.u32 $0x10, s19;
	v11 =	vld [tilespmem:s24+$0x0];
	v5 =	vshll.u32 v3, $0x2;
	v3 =	vor.u32 $0x1, v4  }
0x232: {  	s6 =	sor.u32 $0x20, s19;
	s14 =	sor.u32 $0x30, s19;
	s15 =	sor.u32 s7, s3;
	v6 =	vld.idx.msk [tilespmem:v1+s2+$0x0], $0xffff  }
0x233: {  	s21 =	sor.u32 s14, s3;
	s3 =	sor.u32 s6, s3;
	v13 =	vld [tilespmem:s15+$0x0]  }
0x234: {  	s8 =	sor.u32 s13, s18;
	v15 =	vld [tilespmem:s3+$0x0];
	v7 =	vor.u32 $0x1, v1  }
0x235: {  	v8 =	vld.idx.msk [tilespmem:v2+s2+$0x0], $0xffff;
	[tilespmem:s8+$0x0] =	vst v0  }
0x236: {  	s1 =	sor.u32 s1, s18;
	v10 =	vor.u32 $0x1, v2;
	v0 =	vld.idx.msk [tilespmem:v3+s2+$0x0], $0xffff  }
0x237: {  	[tilespmem:s1+$0x0] =	vst v6;
	v6 =	vld [tilespmem:s21+$0x0];
	v3 =	vor.u32 $0x2, v4  }
0x238: {  	v9 =	vld.idx.msk [tilespmem:v5+s2+$0x0], $0xffff  }
0x239: {  	s3 =	sor.u32 s9, s18;
	v12 =	vor.u32 $0x1, v5;
	v7 =	vld.idx.msk [tilespmem:v7+s2+$0x0], $0xffff  }
0x23a: {  	v14 =	vor.u32 $0x2, v1;
	[tilespmem:s3+$0x0] =	vst v8  }
0x23b: {  	v20 =	vshll.u32 v13, $0x2;
	v8 =	vld.idx.msk [tilespmem:v10+s2+$0x0], $0xffff;
	[tilespmem:s8+$0x80] =	vst v0  }
0x23c: {  	s4 =	sor.u32 s12, s18;
	v0 =	vshll.u32 v6, $0x2;
	v3 =	vld.idx.msk [tilespmem:v3+s2+$0x0], $0xffff  }
0x23d: {  	[tilespmem:s4+$0x0] =	vst v9;
	v4 =	vor.u32 $0x3, v4  }
0x23e: {  	v10 =	vshll.u32 v11, $0x2;
	v16 =	vld.idx.msk [tilespmem:v12+s2+$0x0], $0xffff;
	[tilespmem:s1+$0x80] =	vst v7  }
0x23f: {  	v22 =	vshll.u32 v15, $0x2;
	v21 =	vld.idx.msk [tilespmem:v14+s2+$0x0], $0xffff  }
0x240: {  	v23 =	vor.u32 $0x2, v2;
	v9 =	vor.u32 $0x1, v20;
	v7 =	vor.u32 $0x2, v5;
	[tilespmem:s3+$0x80] =	vst v8;
	v14 =	vld.idx.msk [tilespmem:v20+s2+$0x0], $0xffff  }
0x241: {  	v8 =	vor.u32 $0x3, v20;
	v19 =	vld.idx.msk [tilespmem:v0+s2+$0x0], $0xffff;
	[tilespmem:s8+$0x100] =	vst v3;
	v3 =	vor.u32 $0x3, v1;
	v1 =	vor.u32 $0x3, v2  }
0x242: {  	v2 =	vor.u32 $0x3, v5;
	v5 =	vor.u32 $0x2, v20;
	v20 =	vor.u32 $0x1, v0;
	v15 =	vld.idx.msk [tilespmem:v4+s2+$0x0], $0xffff  }
0x243: {  	v18 =	vld.idx.msk [tilespmem:v10+s2+$0x0], $0xffff  }
0x244: {  	s17 =	sadd.s32 $0x6480, s11;
	s11 =	simm.s32 $0x200;
	v13 =	vor.u32 $0x2, v22;
	v17 =	vld.idx.msk [tilespmem:v22+s2+$0x0], $0xffff;
	v12 =	vor.u32 $0x1, v10;
	v11 =	vor.u32 $0x3, v10;
	[tilespmem:s4+$0x80] =	vst v16  }
0x245: {  	s10 =	sor.u32 s19, s17;
	s13 =	sor.u32 s14, s17;
	s9 =	simm.s32 $0x4;
	v6 =	vor.u32 $0x2, v10;
	v10 =	vor.u32 $0x1, v22;
	v16 =	vld.idx.msk [tilespmem:v23+s2+$0x0], $0xffff;
	[tilespmem:s1+$0x100] =	vst v21;
	v4 =	vor.u32 $0x3, v22  }
.LBB2_14:
0x246: {  	s12 =	sand.u32 $0xFE00, s11;
	s9 =	sadd.s32 $0x4, s9;
	[tilespmem:s13+$0x0] =	vst v19;
	s5 =	sadd.s32 $0x40, s5;
	v19 =	vld.idx.msk [tilespmem:v7+s2+$0x0], $0xffff;
	v7 =	vmov v13  }
0x247: {  	s14 =	sand.u32 $0x40, s5;
	s15 =	sshrl.u32 s12, $0x2;
	p0 =	slt.u32 s9, $0x31C;
	v13 =	vld.idx.msk [tilespmem:v20+s2+$0x0], $0xffff;
	[tilespmem:s8+$0x180] =	vst v15  }
0x248: {  	s8 =	sadd.s32 $0x80, s15;
	s18 =	sor.u32 $0x10, s14;
	s15 =	sor.u32 $0x30, s14;
	[tilespmem:s10+$0x0] =	vst v18;
	v15 =	vld.idx.msk [tilespmem:v3+s2+$0x0], $0xffff;
	v3 =	vmov v11  }
0x249: {  	s20 =	sor.u32 $0x20, s14;
	s19 =	sor.u32 s14, s8;
	s16 =	sor.u32 s15, s8;
	v11 =	vld.idx.msk [tilespmem:v12+s2+$0x0], $0xffff;
	v12 =	vor.u32 $0x2, v0  }
0x24a: {  	s21 =	sor.u32 s18, s8;
	s24 =	sor.u32 s20, s8;
	v18 =	vld [tilespmem:s16+$0x0];
	s16 =	sor.u32 s7, s17  }
0x24b: {  	s8 =	sor.u32 s6, s17;
	s6 =	smov.u32 s20;
	s7 =	smov.u32 s18;
	v20 =	vld [tilespmem:s19+$0x0];
	[tilespmem:s16+$0x0] =	vst v14  }
0x24c: {  	s18 =	smov.u32 s4;
	s4 =	smov.u32 s8;
	v14 =	vld [tilespmem:s21+$0x0];
	[tilespmem:s8+$0x0] =	vst v17;
	s8 =	smov.u32 s13  }
0x24d: {  	v17 =	vld [tilespmem:s24+$0x0];
	[tilespmem:s8+$0x80] =	vst v13  }
0x24e: {  	v21 =	vld.idx.msk [tilespmem:v12+s2+$0x0], $0xffff;
	[tilespmem:s3+$0x100] =	vst v16  }
0x24f: {  	v16 =	vshll.u32 v18, $0x2;
	[tilespmem:s10+$0x80] =	vst v11;
	v18 =	vld.idx.msk [tilespmem:v9+s2+$0x0], $0xffff  }
0x250: {  	v23 =	vor.u32 $0x3, v0;
	v20 =	vshll.u32 v20, $0x2;
	v22 =	vld.idx.msk [tilespmem:v10+s2+$0x0], $0xffff;
	[tilespmem:s18+$0x100] =	vst v19;
	v0 =	vmov v16  }
0x251: {  	v12 =	vor.u32 $0x1, v20;
	v14 =	vshll.u32 v14, $0x2;
	v24 =	vld.idx.msk [tilespmem:v6+s2+$0x0], $0xffff;
	v6 =	vor.u32 $0x2, v20;
	[tilespmem:s1+$0x180] =	vst v15;
	s1 =	smov.u32 s10  }
0x252: {  	v9 =	vor.u32 $0x1, v14;
	v25 =	vor.u32 $0x2, v14;
	v17 =	vshll.u32 v17, $0x2;
	v26 =	vld.idx.msk [tilespmem:v1+s2+$0x0], $0xffff;
	v1 =	vmovc v8  }
0x253: {  	v11 =	vor.u32 $0x3, v20;
	v10 =	vor.u32 $0x1, v17;
	v13 =	vor.u32 $0x2, v17;
	v27 =	vld.idx.msk [tilespmem:v2+s2+$0x0], $0xffff;
	v2 =	vmovc v4  }
0x254: {  	v8 =	vor.u32 $0x3, v14;
	v4 =	vor.u32 $0x3, v17;
	v19 =	vld.idx.msk [tilespmem:v16+s2+$0x0], $0xffff;
	[tilespmem:s8+$0x100] =	vst v21  }
.Ltmp6:
0x255: {  	[tilespmem:s16+$0x80] =	vst v18;
	v15 =	vld.idx.msk [tilespmem:v23+s2+$0x0], $0xffff;
	(pc) =	sbr.rel @p0 .LBB2_14-.Ltmp6, $4  }
0x256: {  	v18 =	vld.idx.msk [tilespmem:v20+s2+$0x0], $0xffff;
	v20 =	vor.u32 $0x1, v0;
	[tilespmem:s4+$0x80] =	vst v22  }
0x257: {  	v14 =	vld.idx.msk [tilespmem:v14+s2+$0x0], $0xffff;
	[tilespmem:s1+$0x100] =	vst v24  }
0x258: {  	s17 =	sadd.s32 $0x6480, s12;
	v17 =	vld.idx.msk [tilespmem:v17+s2+$0x0], $0xffff;
	[tilespmem:s3+$0x180] =	vst v26;
	s3 =	smov.u32 s16  }
0x259: {  	s11 =	sadd.s32 $0x100, s11;
	s13 =	sor.u32 s15, s17;
	s10 =	sor.u32 s14, s17;
	v16 =	vld.idx.msk [tilespmem:v5+s2+$0x0], $0xffff;
	[tilespmem:s18+$0x180] =	vst v27;
	v5 =	vmov v25  }
0x25a: {  	_ =	sdelay $0x2  }
0x25b: {  	[tilespmem:s13+$0x0] =	vst v19  }
0x25c: {  	s5 =	sor.u32 s7, s17;
	v19 =	vld.idx.msk [tilespmem:v20+s2+$0x0], $0xffff;
	[tilespmem:s10+$0x0] =	vst v18  }
0x25d: {  	s6 =	sor.u32 s6, s17;
	v18 =	vor.u32 $0x2, v0;
	v12 =	vld.idx.msk [tilespmem:v12+s2+$0x0], $0xffff;
	[tilespmem:s5+$0x0] =	vst v14  }
0x25e: {  	[tilespmem:s6+$0x0] =	vst v17;
	v9 =	vld.idx.msk [tilespmem:v9+s2+$0x0], $0xffff  }
0x25f: {  	[tilespmem:s8+$0x180] =	vst v15;
	v10 =	vld.idx.msk [tilespmem:v10+s2+$0x0], $0xffff  }
0x260: {  	v7 =	vld.idx.msk [tilespmem:v7+s2+$0x0], $0xffff;
	[tilespmem:s3+$0x100] =	vst v16  }
0x261: {  	v3 =	vld.idx.msk [tilespmem:v3+s2+$0x0], $0xffff;
	[tilespmem:s13+$0x80] =	vst v19  }
0x262: {  	v14 =	vld.idx.msk [tilespmem:v18+s2+$0x0], $0xffff;
	[tilespmem:s10+$0x80] =	vst v12  }
0x263: {  	v0 =	vor.u32 $0x3, v0;
	v6 =	vld.idx.msk [tilespmem:v6+s2+$0x0], $0xffff;
	[tilespmem:s5+$0x80] =	vst v9  }
0x264: {  	[tilespmem:s6+$0x80] =	vst v10;
	v5 =	vld.idx.msk [tilespmem:v5+s2+$0x0], $0xffff  }
0x265: {  	[tilespmem:s4+$0x100] =	vst v7;
	v7 =	vld.idx.msk [tilespmem:v13+s2+$0x0], $0xffff  }
0x266: {  	[tilespmem:s1+$0x180] =	vst v3;
	v1 =	vld.idx.msk [tilespmem:v1+s2+$0x0], $0xffff  }
0x267: {  	v2 =	vld.idx.msk [tilespmem:v2+s2+$0x0], $0xffff;
	[tilespmem:s13+$0x100] =	vst v14  }
0x268: {  	v0 =	vld.idx.msk [tilespmem:v0+s2+$0x0], $0xffff;
	[tilespmem:s10+$0x100] =	vst v6  }
0x269: {  	v3 =	vld.idx.msk [tilespmem:v11+s2+$0x0], $0xffff;
	[tilespmem:s5+$0x100] =	vst v5  }
0x26a: {  	[tilespmem:s6+$0x100] =	vst v7;
	v5 =	vld.idx.msk [tilespmem:v8+s2+$0x0], $0xffff  }
0x26b: {  	[tilespmem:s3+$0x180] =	vst v1;
	v1 =	vld.idx.msk [tilespmem:v4+s2+$0x0], $0xffff  }
0x26c: {  	[tilespmem:s4+$0x180] =	vst v2  }
0x26d: {  	[tilespmem:s13+$0x180] =	vst v0  }
0x26e: {  	[tilespmem:s10+$0x180] =	vst v3  }
0x26f: {  	[tilespmem:s5+$0x180] =	vst v5  }
0x270: {  	[tilespmem:s6+$0x180] =	vst v1  }
0x271: {  	s10 =	simm.s32 $0x0;
	s3 =	rddreg [dreg:$0x13]  }
0x272: {  	[hbm4b:s3+s10] =	stream.linear.scatter [tilespmem:s26], [sflag:$0x4], $0xC800, $0x38;
	[tilespmem:$0x1F480] =	vst v63  }
0x273: {  	_ =	swait.ge [sflag:s28], $0x3200  }
0x274: {  	[sflag:s28] =	ssyncset.done $0x0  }
0x275: {  	s11 =	sand.u32 $0xFE00, s10;
	[sflag:s28] =	ssyncadd.s32 $0xFFFFCE00  }
0x276: {  	s1 =	sand.u32 $0x40, s10;
	s12 =	sshrl.u32 s11, $0x2;
	_ =	swait.ge [sflag:s31], $0xC800  }
0x277: {  	s13 =	sor.u32 $0x30, s1;
	s4 =	sadd.s32 $0x3280, s12;
	[sflag:s31] =	ssyncset.done $0x0  }
0x278: {  	s14 =	sor.u32 s13, s4;
	[sflag:s31] =	ssyncadd.s32 $0xFFFF3800  }
0x279: {  	v0 =	vld [tilespmem:s14+$0x0]  }
0x27a: {  	s15 =	sor.u32 s1, s4  }
0x27b: {  	v1 =	vld [tilespmem:s15+$0x0]  }
0x27c: {  	s9 =	sor.u32 $0x10, s1  }
0x27d: {  	s12 =	sor.u32 $0x20, s1;
	s16 =	sor.u32 s9, s4  }
0x27e: {  	s4 =	sor.u32 s12, s4;
	v2 =	vld [tilespmem:s16+$0x0];
	v4 =	vshll.u32 v0, $0x2  }
0x27f: {  	s17 =	simm.s32 $0x100;
	v3 =	vld [tilespmem:s4+$0x0]  }
0x280: {  	s18 =	sadd.s32 $0x12C80, s11;
	s11 =	sand.u32 $0xFE00, s17;
	v1 =	vshll.u32 v1, $0x2  }
0x281: {  	s5 =	simm.s32 $0x40;
	s20 =	sshrl.u32 s11, $0x2  }
0x282: {  	s19 =	sand.u32 $0x40, s5;
	s3 =	sadd.s32 $0x3280, s20  }
0x283: {  	s24 =	sor.u32 s19, s3;
	v2 =	vshll.u32 v2, $0x2;
	v0 =	vld.idx.msk [tilespmem:v4+s2+$0x0], $0xffff  }
0x284: {  	s7 =	sor.u32 $0x10, s19;
	v11 =	vld [tilespmem:s24+$0x0];
	v5 =	vshll.u32 v3, $0x2;
	v3 =	vor.u32 $0x1, v4  }
0x285: {  	s6 =	sor.u32 $0x20, s19;
	s14 =	sor.u32 $0x30, s19;
	s15 =	sor.u32 s7, s3;
	v6 =	vld.idx.msk [tilespmem:v1+s2+$0x0], $0xffff  }
0x286: {  	s21 =	sor.u32 s14, s3;
	s3 =	sor.u32 s6, s3;
	v13 =	vld [tilespmem:s15+$0x0]  }
0x287: {  	s8 =	sor.u32 s13, s18;
	v15 =	vld [tilespmem:s3+$0x0];
	v7 =	vor.u32 $0x1, v1  }
0x288: {  	v8 =	vld.idx.msk [tilespmem:v2+s2+$0x0], $0xffff;
	[tilespmem:s8+$0x0] =	vst v0  }
0x289: {  	s1 =	sor.u32 s1, s18;
	v10 =	vor.u32 $0x1, v2;
	v0 =	vld.idx.msk [tilespmem:v3+s2+$0x0], $0xffff  }
0x28a: {  	[tilespmem:s1+$0x0] =	vst v6;
	v6 =	vld [tilespmem:s21+$0x0];
	v3 =	vor.u32 $0x2, v4  }
0x28b: {  	v9 =	vld.idx.msk [tilespmem:v5+s2+$0x0], $0xffff  }
0x28c: {  	s3 =	sor.u32 s9, s18;
	v12 =	vor.u32 $0x1, v5;
	v7 =	vld.idx.msk [tilespmem:v7+s2+$0x0], $0xffff  }
0x28d: {  	v14 =	vor.u32 $0x2, v1;
	[tilespmem:s3+$0x0] =	vst v8  }
0x28e: {  	v20 =	vshll.u32 v13, $0x2;
	v8 =	vld.idx.msk [tilespmem:v10+s2+$0x0], $0xffff;
	[tilespmem:s8+$0x80] =	vst v0  }
0x28f: {  	s4 =	sor.u32 s12, s18;
	v0 =	vshll.u32 v6, $0x2;
	v3 =	vld.idx.msk [tilespmem:v3+s2+$0x0], $0xffff  }
0x290: {  	[tilespmem:s4+$0x0] =	vst v9;
	v4 =	vor.u32 $0x3, v4  }
0x291: {  	v10 =	vshll.u32 v11, $0x2;
	v16 =	vld.idx.msk [tilespmem:v12+s2+$0x0], $0xffff;
	[tilespmem:s1+$0x80] =	vst v7  }
0x292: {  	v22 =	vshll.u32 v15, $0x2;
	v21 =	vld.idx.msk [tilespmem:v14+s2+$0x0], $0xffff  }
0x293: {  	v23 =	vor.u32 $0x2, v2;
	v9 =	vor.u32 $0x1, v20;
	v7 =	vor.u32 $0x2, v5;
	[tilespmem:s3+$0x80] =	vst v8;
	v14 =	vld.idx.msk [tilespmem:v20+s2+$0x0], $0xffff  }
0x294: {  	v8 =	vor.u32 $0x3, v20;
	v19 =	vld.idx.msk [tilespmem:v0+s2+$0x0], $0xffff;
	[tilespmem:s8+$0x100] =	vst v3;
	v3 =	vor.u32 $0x3, v1;
	v1 =	vor.u32 $0x3, v2  }
0x295: {  	v2 =	vor.u32 $0x3, v5;
	v5 =	vor.u32 $0x2, v20;
	v20 =	vor.u32 $0x1, v0;
	v15 =	vld.idx.msk [tilespmem:v4+s2+$0x0], $0xffff  }
0x296: {  	v18 =	vld.idx.msk [tilespmem:v10+s2+$0x0], $0xffff  }
0x297: {  	s17 =	sadd.s32 $0x12C80, s11;
	s11 =	simm.s32 $0x200;
	v13 =	vor.u32 $0x2, v22;
	v17 =	vld.idx.msk [tilespmem:v22+s2+$0x0], $0xffff;
	v12 =	vor.u32 $0x1, v10;
	v11 =	vor.u32 $0x3, v10;
	[tilespmem:s4+$0x80] =	vst v16  }
0x298: {  	s10 =	sor.u32 s19, s17;
	s13 =	sor.u32 s14, s17;
	s9 =	simm.s32 $0x4;
	v6 =	vor.u32 $0x2, v10;
	v10 =	vor.u32 $0x1, v22;
	v16 =	vld.idx.msk [tilespmem:v23+s2+$0x0], $0xffff;
	[tilespmem:s1+$0x100] =	vst v21;
	v4 =	vor.u32 $0x3, v22  }
.LBB2_16:
0x299: {  	s12 =	sand.u32 $0xFE00, s11;
	s9 =	sadd.s32 $0x4, s9;
	[tilespmem:s13+$0x0] =	vst v19;
	s5 =	sadd.s32 $0x40, s5;
	v19 =	vld.idx.msk [tilespmem:v7+s2+$0x0], $0xffff;
	v7 =	vmov v13  }
0x29a: {  	s14 =	sand.u32 $0x40, s5;
	s15 =	sshrl.u32 s12, $0x2;
	p0 =	slt.u32 s9, $0x31C;
	v13 =	vld.idx.msk [tilespmem:v20+s2+$0x0], $0xffff;
	[tilespmem:s8+$0x180] =	vst v15  }
0x29b: {  	s8 =	sadd.s32 $0x3280, s15;
	s18 =	sor.u32 $0x10, s14;
	s15 =	sor.u32 $0x30, s14;
	[tilespmem:s10+$0x0] =	vst v18;
	v15 =	vld.idx.msk [tilespmem:v3+s2+$0x0], $0xffff;
	v3 =	vmov v11  }
0x29c: {  	s20 =	sor.u32 $0x20, s14;
	s19 =	sor.u32 s14, s8;
	s16 =	sor.u32 s15, s8;
	v11 =	vld.idx.msk [tilespmem:v12+s2+$0x0], $0xffff;
	v12 =	vor.u32 $0x2, v0  }
0x29d: {  	s21 =	sor.u32 s18, s8;
	s24 =	sor.u32 s20, s8;
	v18 =	vld [tilespmem:s16+$0x0];
	s16 =	sor.u32 s7, s17  }
0x29e: {  	s8 =	sor.u32 s6, s17;
	s6 =	smov.u32 s20;
	s7 =	smov.u32 s18;
	v20 =	vld [tilespmem:s19+$0x0];
	[tilespmem:s16+$0x0] =	vst v14  }
0x29f: {  	s18 =	smov.u32 s4;
	s4 =	smov.u32 s8;
	v14 =	vld [tilespmem:s21+$0x0];
	[tilespmem:s8+$0x0] =	vst v17;
	s8 =	smov.u32 s13  }
0x2a0: {  	v17 =	vld [tilespmem:s24+$0x0];
	[tilespmem:s8+$0x80] =	vst v13  }
0x2a1: {  	v21 =	vld.idx.msk [tilespmem:v12+s2+$0x0], $0xffff;
	[tilespmem:s3+$0x100] =	vst v16  }
0x2a2: {  	v16 =	vshll.u32 v18, $0x2;
	[tilespmem:s10+$0x80] =	vst v11;
	v18 =	vld.idx.msk [tilespmem:v9+s2+$0x0], $0xffff  }
0x2a3: {  	v23 =	vor.u32 $0x3, v0;
	v20 =	vshll.u32 v20, $0x2;
	v22 =	vld.idx.msk [tilespmem:v10+s2+$0x0], $0xffff;
	[tilespmem:s18+$0x100] =	vst v19;
	v0 =	vmov v16  }
0x2a4: {  	v12 =	vor.u32 $0x1, v20;
	v14 =	vshll.u32 v14, $0x2;
	v24 =	vld.idx.msk [tilespmem:v6+s2+$0x0], $0xffff;
	v6 =	vor.u32 $0x2, v20;
	[tilespmem:s1+$0x180] =	vst v15;
	s1 =	smov.u32 s10  }
0x2a5: {  	v9 =	vor.u32 $0x1, v14;
	v25 =	vor.u32 $0x2, v14;
	v17 =	vshll.u32 v17, $0x2;
	v26 =	vld.idx.msk [tilespmem:v1+s2+$0x0], $0xffff;
	v1 =	vmovc v8  }
0x2a6: {  	v11 =	vor.u32 $0x3, v20;
	v10 =	vor.u32 $0x1, v17;
	v13 =	vor.u32 $0x2, v17;
	v27 =	vld.idx.msk [tilespmem:v2+s2+$0x0], $0xffff;
	v2 =	vmovc v4  }
0x2a7: {  	v8 =	vor.u32 $0x3, v14;
	v4 =	vor.u32 $0x3, v17;
	v19 =	vld.idx.msk [tilespmem:v16+s2+$0x0], $0xffff;
	[tilespmem:s8+$0x100] =	vst v21  }
.Ltmp7:
0x2a8: {  	[tilespmem:s16+$0x80] =	vst v18;
	v15 =	vld.idx.msk [tilespmem:v23+s2+$0x0], $0xffff;
	(pc) =	sbr.rel @p0 .LBB2_16-.Ltmp7, $4  }
0x2a9: {  	v18 =	vld.idx.msk [tilespmem:v20+s2+$0x0], $0xffff;
	v20 =	vor.u32 $0x1, v0;
	[tilespmem:s4+$0x80] =	vst v22  }
0x2aa: {  	v14 =	vld.idx.msk [tilespmem:v14+s2+$0x0], $0xffff;
	[tilespmem:s1+$0x100] =	vst v24  }
0x2ab: {  	s17 =	sadd.s32 $0x12C80, s12;
	v17 =	vld.idx.msk [tilespmem:v17+s2+$0x0], $0xffff;
	[tilespmem:s3+$0x180] =	vst v26;
	s3 =	smov.u32 s16  }
0x2ac: {  	s11 =	sadd.s32 $0x100, s11;
	s13 =	sor.u32 s15, s17;
	s10 =	sor.u32 s14, s17;
	v16 =	vld.idx.msk [tilespmem:v5+s2+$0x0], $0xffff;
	[tilespmem:s18+$0x180] =	vst v27;
	v5 =	vmov v25  }
0x2ad: {  	_ =	sdelay $0x2  }
0x2ae: {  	[tilespmem:s13+$0x0] =	vst v19  }
0x2af: {  	s5 =	sor.u32 s7, s17;
	v19 =	vld.idx.msk [tilespmem:v20+s2+$0x0], $0xffff;
	[tilespmem:s10+$0x0] =	vst v18  }
0x2b0: {  	v58 =	vor.u32 $0x2, v0;
	s6 =	sor.u32 s6, s17;
	v12 =	vld.idx.msk [tilespmem:v12+s2+$0x0], $0xffff;
	[tilespmem:s5+$0x0] =	vst v14  }
0x2b1: {  	[tilespmem:s6+$0x0] =	vst v17;
	v9 =	vld.idx.msk [tilespmem:v9+s2+$0x0], $0xffff  }
0x2b2: {  	[tilespmem:s8+$0x180] =	vst v15;
	v10 =	vld.idx.msk [tilespmem:v10+s2+$0x0], $0xffff  }
0x2b3: {  	v7 =	vld.idx.msk [tilespmem:v7+s2+$0x0], $0xffff;
	[tilespmem:s3+$0x100] =	vst v16  }
0x2b4: {  	v3 =	vld.idx.msk [tilespmem:v3+s2+$0x0], $0xffff;
	[tilespmem:s13+$0x80] =	vst v19  }
0x2b5: {  	v59 =	vld.idx.msk [tilespmem:v58+s2+$0x0], $0xffff;
	[tilespmem:s10+$0x80] =	vst v12  }
0x2b6: {  	v60 =	vor.u32 $0x3, v0;
	v6 =	vld.idx.msk [tilespmem:v6+s2+$0x0], $0xffff;
	[tilespmem:s5+$0x80] =	vst v9  }
0x2b7: {  	[tilespmem:s6+$0x80] =	vst v10;
	v5 =	vld.idx.msk [tilespmem:v5+s2+$0x0], $0xffff  }
0x2b8: {  	[tilespmem:s4+$0x100] =	vst v7;
	v61 =	vld.idx.msk [tilespmem:v13+s2+$0x0], $0xffff  }
0x2b9: {  	[tilespmem:s1+$0x180] =	vst v3;
	v1 =	vld.idx.msk [tilespmem:v1+s2+$0x0], $0xffff  }
0x2ba: {  	v2 =	vld.idx.msk [tilespmem:v2+s2+$0x0], $0xffff;
	[tilespmem:s13+$0x100] =	vst v59  }
0x2bb: {  	v0 =	vld.idx.msk [tilespmem:v60+s2+$0x0], $0xffff;
	[tilespmem:s10+$0x100] =	vst v6  }
0x2bc: {  	v62 =	vld.idx.msk [tilespmem:v11+s2+$0x0], $0xffff;
	[tilespmem:s5+$0x100] =	vst v5  }
0x2bd: {  	[tilespmem:s6+$0x100] =	vst v61;
	v5 =	vld.idx.msk [tilespmem:v8+s2+$0x0], $0xffff  }
0x2be: {  	[tilespmem:s3+$0x180] =	vst v1;
	v63 =	vld.idx.msk [tilespmem:v4+s2+$0x0], $0xffff  }
0x2bf: {  	[tilespmem:s4+$0x180] =	vst v2  }
0x2c0: {  	[tilespmem:s13+$0x180] =	vst v0  }
0x2c1: {  	[tilespmem:s10+$0x180] =	vst v62  }
0x2c2: {  	[tilespmem:s5+$0x180] =	vst v5  }
0x2c3: {  	[tilespmem:s6+$0x180] =	vst v63  }
0x2c4: {  	s1 =	rddreg [dreg:$0x14]  }
0x2c5: {  	[hbm4b:s1+s2] =	stream.linear.scatter [tilespmem:s29], [sflag:$0x5], $0xC800, $0x38;
	[tilespmem:$0x1F480] =	vst v63  }
0x2c6: {  	_ =	swait.ge [sflag:s30], $0xC800  }
0x2c7: {  	[sflag:s30] =	ssyncset.done $0x0  }
0x2c8: {  	[sflag:s30] =	ssyncadd.s32 $0xFFFF3800  }
0x2c9: {  	_ =	swait.ge [sflag:s31], $0xC800  }
0x2ca: {  	s0 =	sadd.s32 $0x1, s0;
	s24 =	rddreg [dreg:$0x15]  }
0x2cb: {  	p0 =	sne.s32 s0, s24  }
.Ltmp8:
0x2cc: {  	_ = 	snop;
	(pc) =	sbr.rel @p0 .LBB2_1-.Ltmp8, $3  }
0x2cd: {  	_ =	sdelay $0x1  }
0x2ce: {  	[sflag:s31] =	ssyncset.done $0x0  }
0x2cf: {  	[sflag:s31] =	ssyncadd.s32 $0xFFFF3800  }
0x2d0: {  	_ =	sfence.sel $0x180000  }
0x2d1: {  	[bflag:$0x0] =	sbarrier.arrive $0xFFFF  }
0x2d2: {  	_ =	strace $0x90000047  }
0x2d3: {  	s0 =	stileid.u32;
	[bflag:$0x2] =	sbarrier.arrive $0xFFFF  }
0x2d4: {  	p0 =	sne.s32 s0, $0x0;
	s0 =	rddreg [dreg:$0x3]  }
0x2d5: {  	s0 =	sadd.s32 @!p0 $0x100000, s0  }
0x2d6: {  	[sflag:s0] =	ssyncadd.tile.s32 @!p0 $0x1;
	_ =	shalt  }
.Lfunc_end2:
_tile_overlayer_lowered:
.L_overlay_start_2:
0x2d7: {  	(tag) =	ssettag $0x2  }
0x2d8: {  	s0 =	rddreg [dreg:$0x0];
	s2 =	stileid.u32  }
0x2d9: {  	s1 =	rddreg [dreg:$0x1];
	p0 =	sne.s32 s2, $0x0  }
0x2da: {  	s3 =	rddreg [dreg:$0x2];
	[bflag:$0x3] =	sbarrier.arrive $0xFFFF;
	s2 =	simm.s32 @!p0 $0x1C06  }
0x2db: {  	[timem:s3], [sflag:s2] =	dma.local @!p0 [hbm:s0], s1  }
0x2dc: {  	s0 =	simm.s32 @!p0 $0x6  }
0x2dd: {  	_ =	swait.ge @!p0 [sflag:s0], s1  }
0x2de: {  	s1 =	ssub.s32 @!p0 $0x0, s1;
	[sflag:s0] =	ssyncset.done @!p0 $0x0  }
0x2df: {  	[sflag:s0] =	ssyncadd.s32 @!p0 s1  }
0x2e0: {  	[bflag:$0x3] =	sbarrier.arrive $0xFFFF  }
0x2e1: {  	_ =	shalt  }

</sc_bundles>
